<compile_context>
chip_gen: v7x
topology: tpu7x:2x2x1
jax: 0.10.2.dev20260603
libtpu: 0.0.44.dev20260713+nightly
codegen_flags: <defaults>
</compile_context>

<pallas_src>
import functools

import jax
import jax.numpy as jnp
import numpy as np
from jax import lax
from jax.experimental import pallas as pl
from jax.experimental.pallas import tpu as pltpu
from jax.experimental.pallas import tpu_sc as plsc

B, L, D = 4096, 200, 32
SEQ = L + 2
V_DIS, V_CNT, V_AGE, V_SEX = 100000, 50, 100, 3
NC, NS = 2, 16
NW = NC * NS
CHUNK = 128
N_CHUNKS = B * SEQ // CHUNK
PER_W = N_CHUNKS // NW
SIDE_ROWS = 160
LANES = 16

_PERM = np.empty((D,), np.int32)
_PERM[0::2] = np.arange(16)
_PERM[1::2] = 16 + np.arange(16)

_mesh = plsc.VectorSubcoreMesh(
    core_axis_name="c", subcore_axis_name="s", num_cores=NC, num_subcores=NS
)


@functools.partial(
    pl.kernel,
    mesh=_mesh,
    compiler_params=pltpu.CompilerParams(
        needs_layout_passes=False, use_tc_tiling_on_sc=False
    ),
    out_type=jax.ShapeDtypeStruct((N_CHUNKS, CHUNK * D), jnp.float32),
    scratch_types=[
        pltpu.VMEM((CHUNK * D,), jnp.float32),
        pltpu.VMEM((CHUNK * D,), jnp.float32),
        pltpu.VMEM((CHUNK,), jnp.int32),
        pltpu.VMEM((CHUNK,), jnp.int32),
        pltpu.VMEM((CHUNK,), jnp.int32),
        pltpu.VMEM((CHUNK,), jnp.int32),
        pltpu.VMEM((CHUNK, D), jnp.bfloat16),
        pltpu.VMEM((CHUNK, D), jnp.bfloat16),
        pltpu.VMEM((CHUNK, D), jnp.bfloat16),
        pltpu.VMEM((CHUNK, D), jnp.bfloat16),
        pltpu.SemaphoreType.DMA,
        pltpu.SemaphoreType.DMA,
        pltpu.SemaphoreType.DMA,
        pltpu.SemaphoreType.DMA,
        pltpu.SemaphoreType.DMA,
        pltpu.SemaphoreType.DMA,
    ],
)
def _sc_embed(wdis_hbm, side_hbm, idxm_hbm, idxs_hbm, out_hbm,
              fl0, fl1, im0, im1, is0, is1, b0, b1, c0, c1,
              si0, si1, sg0, sg1, so0, so1):
    wid = lax.axis_index("s") * NC + lax.axis_index("c")
    base = wid * PER_W
    im, isv, buf, buf2 = [im0, im1], [is0, is1], [b0, b1], [c0, c1]
    fl = [fl0, fl1]
    sidx, sg, so = [si0, si1], [sg0, sg1], [so0, so1]

    def idx_start(j, s):
        pltpu.async_copy(idxm_hbm.at[base + j], im[s], sidx[s])
        pltpu.async_copy(idxs_hbm.at[base + j], isv[s], sidx[s])

    def idx_wait(s):
        pltpu.make_async_copy(idxm_hbm.at[0], im[s], sidx[s]).wait()
        pltpu.make_async_copy(idxs_hbm.at[0], isv[s], sidx[s]).wait()

    def gather_start(s):
        pltpu.async_copy(wdis_hbm.at[im[s]], buf[s], sg[s])
        pltpu.async_copy(side_hbm.at[isv[s]], buf2[s], sg[s])

    def gather_wait(s):
        pltpu.make_async_copy(wdis_hbm.at[im[s]], buf[s], sg[s]).wait()
        pltpu.make_async_copy(side_hbm.at[isv[s]], buf2[s], sg[s]).wait()

    def out_start(j, s):
        pltpu.async_copy(fl[s], out_hbm.at[base + j], so[s])

    def out_wait(s):
        pltpu.make_async_copy(fl[s], out_hbm.at[0], so[s]).wait()

    def compute(s):
        @plsc.parallel_loop(0, CHUNK, step=1, unroll=4)
        def _(r):
            a, b = plsc.unpack(buf[s][r, :], format=plsc.PackFormat.INTERLEAVED)
            sa, sb = plsc.unpack(
                buf2[s][r, :], format=plsc.PackFormat.INTERLEAVED
            )
            fl[s][pl.ds(r * D, LANES)] = a + sa
            fl[s][pl.ds(r * D + LANES, LANES)] = b + sb

    idx_start(0, 0)
    idx_start(1, 1)
    idx_wait(0)
    gather_start(0)

    def pair_body(p, carry):
        for s in (0, 1):
            j = 2 * p + s
            o = 1 - s

            @pl.when(j + 1 < PER_W)
            def _():
                idx_wait(o)
                gather_start(o)

            gather_wait(s)

            @pl.when(j >= 2)
            def _():
                out_wait(s)

            compute(s)
            out_start(j, s)

            @pl.when(j + 2 < PER_W)
            def _():
                idx_start(j + 2, s)

        return carry

    lax.fori_loop(0, PER_W // 2, pair_body, 0)
    out_wait(0)
    out_wait(1)


def kernel(diseases, counts, age, sex, W_diseases, W_counts, W_age, W_sex):
    idx_main = jnp.concatenate(
        [diseases, jnp.zeros((B, 2), jnp.int32)], axis=1
    ).reshape(N_CHUNKS, CHUNK)
    idx_side = jnp.concatenate(
        [counts, V_CNT + age[:, None], V_CNT + V_AGE + sex[:, None]], axis=1
    ).reshape(N_CHUNKS, CHUNK)
    wbase = W_diseases[0]
    side = jnp.concatenate(
        [
            W_counts,
            W_age - wbase,
            W_sex - wbase,
            jnp.zeros((SIDE_ROWS - V_CNT - V_AGE - V_SEX, D), jnp.float32),
        ],
        axis=0,
    )
    perm = jnp.asarray(_PERM)
    wdis_bf = W_diseases[:, perm].astype(jnp.bfloat16)
    side_bf = side[:, perm].astype(jnp.bfloat16)
    out = _sc_embed(wdis_bf, side_bf, idx_main, idx_side)
    return out.reshape(B, SEQ, D)

# --- scband reference (transcript-rebuilt; emitter-appended) ---
"""Pipeline reference for scband-embedding-pheno-cat-17291538334466 (READ-ONLY COPY).

The authoritative reference and input builder live on the scoring server;
editing this copy changes nothing except your own understanding.
"""

import jax, jax.numpy as jnp
import numpy as np

B, L, D = 4096, 200, 32
V_DIS, V_CNT, V_AGE, V_SEX = 100000, 50, 100, 3

def setup_inputs(seed: int = 0) -> dict:
    key = jax.random.key(seed)
    ks = jax.random.split(key, 8)
    diseases = jax.random.randint(ks[0], (B, L), 0, V_DIS, dtype=jnp.int32)
    counts = jax.random.randint(ks[1], (B, L), 0, V_CNT, dtype=jnp.int32)
    age = jax.random.randint(ks[2], (B,), 0, V_AGE, dtype=jnp.int32)
    sex = jax.random.randint(ks[3], (B,), 0, V_SEX, dtype=jnp.int32)
    W_diseases = 0.02 * jax.random.normal(ks[4], (V_DIS, D), dtype=jnp.float32)
    W_counts = 0.02 * jax.random.normal(ks[5], (V_CNT, D), dtype=jnp.float32)
    W_age = 0.02 * jax.random.normal(ks[6], (V_AGE, D), dtype=jnp.float32)
    W_sex = 0.02 * jax.random.normal(ks[7], (V_SEX, D), dtype=jnp.float32)
    return {"diseases": diseases, "counts": counts, "age": age, "sex": sex,
            "W_diseases": W_diseases, "W_counts": W_counts, "W_age": W_age, "W_sex": W_sex}

def reference(diseases, counts, age, sex, W_diseases, W_counts, W_age, W_sex):
    # diseases embedding lookup: [B, L, D]
    dis_emb = jnp.take(W_diseases, diseases, axis=0)
    # counts (Paul pheno method, standard Embedding): added elementwise
    cnt_emb = jnp.take(W_counts, counts, axis=0)
    dis_emb = dis_emb + cnt_emb
    # env categorical fields: each [B, 1, D]
    age_emb = jnp.take(W_age, age, axis=0).reshape(B, 1, D)
    sex_emb = jnp.take(W_sex, sex, axis=0).reshape(B, 1, D)
    env_emb = jnp.concatenate([age_emb, sex_emb], axis=1)
    # final concat along sequence dim: [B, L+2, D]
    return jnp.concatenate([dis_emb, env_emb], axis=1)

if __name__ == "__main__":
    import jax
    _d = setup_inputs()
    print(jax.jit(kernel)(*tuple(_d.values())))

</pallas_src>

<mosaic_0001>
#map = affine_map<(d0, d1) -> (0, 0)>
module attributes {stable_mosaic.version = 14 : i64} {
  func.func @_sc_embed(%arg0: i32, %arg1: i32, %arg2: memref<100000x32xbf16, #tpu.memory_space<hbm>>, %arg3: memref<160x32xbf16, #tpu.memory_space<hbm>>, %arg4: memref<6464x128xi32, #tpu.memory_space<hbm>>, %arg5: memref<6464x128xi32, #tpu.memory_space<hbm>>, %arg6: memref<6464x4096xf32, #tpu.memory_space<hbm>>, %arg7: memref<4096xf32, #tpu.memory_space<vmem>>, %arg8: memref<4096xf32, #tpu.memory_space<vmem>>, %arg9: memref<128xi32, #tpu.memory_space<vmem>>, %arg10: memref<128xi32, #tpu.memory_space<vmem>>, %arg11: memref<128xi32, #tpu.memory_space<vmem>>, %arg12: memref<128xi32, #tpu.memory_space<vmem>>, %arg13: memref<128x32xbf16, #tpu.memory_space<vmem>>, %arg14: memref<128x32xbf16, #tpu.memory_space<vmem>>, %arg15: memref<128x32xbf16, #tpu.memory_space<vmem>>, %arg16: memref<128x32xbf16, #tpu.memory_space<vmem>>, %arg17: memref<!tpu.dma_semaphore, #tpu.memory_space<semaphore_mem>>, %arg18: memref<!tpu.dma_semaphore, #tpu.memory_space<semaphore_mem>>, %arg19: memref<!tpu.dma_semaphore, #tpu.memory_space<semaphore_mem>>, %arg20: memref<!tpu.dma_semaphore, #tpu.memory_space<semaphore_mem>>, %arg21: memref<!tpu.dma_semaphore, #tpu.memory_space<semaphore_mem>>, %arg22: memref<!tpu.dma_semaphore, #tpu.memory_space<semaphore_mem>>) attributes {dimension_semantics = [#tpu.dimension_semantics<core_parallel>, #tpu.dimension_semantics<subcore_parallel>], iteration_bounds = array<i64: 2, 16>, scalar_prefetch = 0 : i64, scratch_operands = 16 : i64, tpu.core_type = #tpu.core_type<sc_vector_subcore>, window_params = [{transform_indices = #map}, {transform_indices = #map}, {transform_indices = #map}, {transform_indices = #map}, {transform_indices = #map}]} {
    %mul3A = arith.constant 2 : i32
    %mul3A_0 = arith.muli %arg1, %mul3A : i32
    %add3A = arith.addi %mul3A_0, %arg0 : i32
    %mul3A_1 = arith.constant 202 : i32
    %mul3A_2 = arith.muli %add3A, %mul3A_1 : i32
    %add3A_3 = arith.constant 0 : i32
    %add3A_4 = arith.addi %mul3A_2, %add3A_3 : i32
    %dma_start3A = arith.constant 0 : i32
    %dma_start3A_5 = tpu.memref_slice %arg4[%add3A_4, %dma_start3A] : memref<6464x128xi32, #tpu.memory_space<hbm>> -> memref<1x128xi32, #tpu.memory_space<hbm>>
    %dma_start3A_6 = tpu.memref_squeeze %dma_start3A_5 : memref<1x128xi32, #tpu.memory_space<hbm>> -> memref<128xi32, #tpu.memory_space<hbm>>
    %dma_start3A_7 = arith.constant 0 : i32
    %dma_start3A_8 = tpu.memref_slice %arg4[%add3A_4, %dma_start3A_7] : memref<6464x128xi32, #tpu.memory_space<hbm>> -> memref<1x128xi32, #tpu.memory_space<hbm>>
    %dma_start3A_9 = tpu.memref_squeeze %dma_start3A_8 : memref<1x128xi32, #tpu.memory_space<hbm>> -> memref<128xi32, #tpu.memory_space<hbm>>
    tpu.enqueue_dma source(%dma_start3A_9 : memref<128xi32, #tpu.memory_space<hbm>>) target(%arg9 : memref<128xi32, #tpu.memory_space<vmem>>) target_semaphore(%arg17 : memref<!tpu.dma_semaphore, #tpu.memory_space<semaphore_mem>>)
    %add3A_10 = arith.constant 0 : i32
    %add3A_11 = arith.addi %mul3A_2, %add3A_10 : i32
    %dma_start3A_12 = arith.constant 0 : i32
    %dma_start3A_13 = tpu.memref_slice %arg5[%add3A_11, %dma_start3A_12] : memref<6464x128xi32, #tpu.memory_space<hbm>> -> memref<1x128xi32, #tpu.memory_space<hbm>>
    %dma_start3A_14 = tpu.memref_squeeze %dma_start3A_13 : memref<1x128xi32, #tpu.memory_space<hbm>> -> memref<128xi32, #tpu.memory_space<hbm>>
    %dma_start3A_15 = arith.constant 0 : i32
    %dma_start3A_16 = tpu.memref_slice %arg5[%add3A_11, %dma_start3A_15] : memref<6464x128xi32, #tpu.memory_space<hbm>> -> memref<1x128xi32, #tpu.memory_space<hbm>>
    %dma_start3A_17 = tpu.memref_squeeze %dma_start3A_16 : memref<1x128xi32, #tpu.memory_space<hbm>> -> memref<128xi32, #tpu.memory_space<hbm>>
    tpu.enqueue_dma source(%dma_start3A_17 : memref<128xi32, #tpu.memory_space<hbm>>) target(%arg11 : memref<128xi32, #tpu.memory_space<vmem>>) target_semaphore(%arg17 : memref<!tpu.dma_semaphore, #tpu.memory_space<semaphore_mem>>)
    %add3A_18 = arith.constant 1 : i32
    %add3A_19 = arith.addi %mul3A_2, %add3A_18 : i32
    %dma_start3A_20 = arith.constant 0 : i32
    %dma_start3A_21 = tpu.memref_slice %arg4[%add3A_19, %dma_start3A_20] : memref<6464x128xi32, #tpu.memory_space<hbm>> -> memref<1x128xi32, #tpu.memory_space<hbm>>
    %dma_start3A_22 = tpu.memref_squeeze %dma_start3A_21 : memref<1x128xi32, #tpu.memory_space<hbm>> -> memref<128xi32, #tpu.memory_space<hbm>>
    %dma_start3A_23 = arith.constant 0 : i32
    %dma_start3A_24 = tpu.memref_slice %arg4[%add3A_19, %dma_start3A_23] : memref<6464x128xi32, #tpu.memory_space<hbm>> -> memref<1x128xi32, #tpu.memory_space<hbm>>
    %dma_start3A_25 = tpu.memref_squeeze %dma_start3A_24 : memref<1x128xi32, #tpu.memory_space<hbm>> -> memref<128xi32, #tpu.memory_space<hbm>>
    tpu.enqueue_dma source(%dma_start3A_25 : memref<128xi32, #tpu.memory_space<hbm>>) target(%arg10 : memref<128xi32, #tpu.memory_space<vmem>>) target_semaphore(%arg18 : memref<!tpu.dma_semaphore, #tpu.memory_space<semaphore_mem>>)
    %add3A_26 = arith.constant 1 : i32
    %add3A_27 = arith.addi %mul3A_2, %add3A_26 : i32
    %dma_start3A_28 = arith.constant 0 : i32
    %dma_start3A_29 = tpu.memref_slice %arg5[%add3A_27, %dma_start3A_28] : memref<6464x128xi32, #tpu.memory_space<hbm>> -> memref<1x128xi32, #tpu.memory_space<hbm>>
    %dma_start3A_30 = tpu.memref_squeeze %dma_start3A_29 : memref<1x128xi32, #tpu.memory_space<hbm>> -> memref<128xi32, #tpu.memory_space<hbm>>
    %dma_start3A_31 = arith.constant 0 : i32
    %dma_start3A_32 = tpu.memref_slice %arg5[%add3A_27, %dma_start3A_31] : memref<6464x128xi32, #tpu.memory_space<hbm>> -> memref<1x128xi32, #tpu.memory_space<hbm>>
    %dma_start3A_33 = tpu.memref_squeeze %dma_start3A_32 : memref<1x128xi32, #tpu.memory_space<hbm>> -> memref<128xi32, #tpu.memory_space<hbm>>
    tpu.enqueue_dma source(%dma_start3A_33 : memref<128xi32, #tpu.memory_space<hbm>>) target(%arg12 : memref<128xi32, #tpu.memory_space<vmem>>) target_semaphore(%arg18 : memref<!tpu.dma_semaphore, #tpu.memory_space<semaphore_mem>>)
    %dma_wait3A = arith.constant 0 : i32
    %dma_wait3A_34 = arith.constant 0 : i32
    %dma_wait3A_35 = tpu.memref_slice %arg4[%dma_wait3A, %dma_wait3A_34] : memref<6464x128xi32, #tpu.memory_space<hbm>> -> memref<1x128xi32, #tpu.memory_space<hbm>>
    %dma_wait3A_36 = tpu.memref_squeeze %dma_wait3A_35 : memref<1x128xi32, #tpu.memory_space<hbm>> -> memref<128xi32, #tpu.memory_space<hbm>>
    %dma_wait3A_37 = arith.constant 0 : i32
    %dma_wait3A_38 = tpu.memref_slice %arg4[%dma_wait3A, %dma_wait3A_37] : memref<6464x128xi32, #tpu.memory_space<hbm>> -> memref<1x128xi32, #tpu.memory_space<hbm>>
    %dma_wait3A_39 = tpu.memref_squeeze %dma_wait3A_38 : memref<1x128xi32, #tpu.memory_space<hbm>> -> memref<128xi32, #tpu.memory_space<hbm>>
    tpu.wait_dma2 semaphore(%arg17 : memref<!tpu.dma_semaphore, #tpu.memory_space<semaphore_mem>>) src(%dma_wait3A_39 : memref<128xi32, #tpu.memory_space<hbm>>) dst(%arg9 : memref<128xi32, #tpu.memory_space<vmem>>)
    %dma_wait3A_40 = arith.constant 0 : i32
    %dma_wait3A_41 = arith.constant 0 : i32
    %dma_wait3A_42 = tpu.memref_slice %arg5[%dma_wait3A_40, %dma_wait3A_41] : memref<6464x128xi32, #tpu.memory_space<hbm>> -> memref<1x128xi32, #tpu.memory_space<hbm>>
    %dma_wait3A_43 = tpu.memref_squeeze %dma_wait3A_42 : memref<1x128xi32, #tpu.memory_space<hbm>> -> memref<128xi32, #tpu.memory_space<hbm>>
    %dma_wait3A_44 = arith.constant 0 : i32
    %dma_wait3A_45 = tpu.memref_slice %arg5[%dma_wait3A_40, %dma_wait3A_44] : memref<6464x128xi32, #tpu.memory_space<hbm>> -> memref<1x128xi32, #tpu.memory_space<hbm>>
    %dma_wait3A_46 = tpu.memref_squeeze %dma_wait3A_45 : memref<1x128xi32, #tpu.memory_space<hbm>> -> memref<128xi32, #tpu.memory_space<hbm>>
    tpu.wait_dma2 semaphore(%arg17 : memref<!tpu.dma_semaphore, #tpu.memory_space<semaphore_mem>>) src(%dma_wait3A_46 : memref<128xi32, #tpu.memory_space<hbm>>) dst(%arg11 : memref<128xi32, #tpu.memory_space<vmem>>)
    %dma_start3A_47 = arith.constant 0 : i32
    %dma_start3A_48 = arith.constant 0 : i32
    %dma_start3A_49 = tpu.memref_slice %arg2[%dma_start3A_47, %dma_start3A_48] : memref<100000x32xbf16, #tpu.memory_space<hbm>> -> memref<100000x32xbf16, #tpu.memory_space<hbm>>
    tpu.enqueue_indirect_dma source(%dma_start3A_49 : memref<100000x32xbf16, #tpu.memory_space<hbm>>) target(%arg13 : memref<128x32xbf16, #tpu.memory_space<vmem>>) offsets(%arg9 : memref<128xi32, #tpu.memory_space<vmem>>) semaphore(%arg19 : memref<!tpu.dma_semaphore, #tpu.memory_space<semaphore_mem>>)
    %dma_start3A_50 = arith.constant 0 : i32
    %dma_start3A_51 = arith.constant 0 : i32
    %dma_start3A_52 = tpu.memref_slice %arg3[%dma_start3A_50, %dma_start3A_51] : memref<160x32xbf16, #tpu.memory_space<hbm>> -> memref<160x32xbf16, #tpu.memory_space<hbm>>
    tpu.enqueue_indirect_dma source(%dma_start3A_52 : memref<160x32xbf16, #tpu.memory_space<hbm>>) target(%arg15 : memref<128x32xbf16, #tpu.memory_space<vmem>>) offsets(%arg11 : memref<128xi32, #tpu.memory_space<vmem>>) semaphore(%arg19 : memref<!tpu.dma_semaphore, #tpu.memory_space<semaphore_mem>>)
    %scan3A = arith.constant 0 : i32
    %scan3A_53 = arith.constant 0 : i32
    %scan3A_54 = arith.constant 101 : i32
    %scan3A_55 = arith.addi %scan3A_53, %scan3A_54 : i32
    %scan3A_56 = arith.constant 1 : i32
    scf.for %scan3A_72 = %scan3A_53 to %scan3A_55 step %scan3A_56  : i32 {
      %mul3A_73 = arith.constant 2 : i32
      %mul3A_74 = arith.muli %mul3A_73, %scan3A_72 : i32
      %add3A_75 = arith.constant 0 : i32
      %add3A_76 = arith.addi %mul3A_74, %add3A_75 : i32
      %add3A_77 = arith.constant 1 : i32
      %add3A_78 = arith.addi %add3A_76, %add3A_77 : i32
      %lt3A = arith.constant 202 : i32
      %lt3A_79 = arith.cmpi slt, %add3A_78, %lt3A : i32
      %convert_element_type3A = arith.extui %lt3A_79 : i1 to i32
      %cond3A = arith.constant 0 : i32
      %cond3A_80 = arith.cmpi ne, %convert_element_type3A, %cond3A : i32
      scf.if %cond3A_80 {
        %dma_wait3A_146 = arith.constant 0 : i32
        %dma_wait3A_147 = arith.constant 0 : i32
        %dma_wait3A_148 = tpu.memref_slice %arg4[%dma_wait3A_146, %dma_wait3A_147] : memref<6464x128xi32, #tpu.memory_space<hbm>> -> memref<1x128xi32, #tpu.memory_space<hbm>>
        %dma_wait3A_149 = tpu.memref_squeeze %dma_wait3A_148 : memref<1x128xi32, #tpu.memory_space<hbm>> -> memref<128xi32, #tpu.memory_space<hbm>>
        %dma_wait3A_150 = arith.constant 0 : i32
        %dma_wait3A_151 = tpu.memref_slice %arg4[%dma_wait3A_146, %dma_wait3A_150] : memref<6464x128xi32, #tpu.memory_space<hbm>> -> memref<1x128xi32, #tpu.memory_space<hbm>>
        %dma_wait3A_152 = tpu.memref_squeeze %dma_wait3A_151 : memref<1x128xi32, #tpu.memory_space<hbm>> -> memref<128xi32, #tpu.memory_space<hbm>>
        tpu.wait_dma2 semaphore(%arg18 : memref<!tpu.dma_semaphore, #tpu.memory_space<semaphore_mem>>) src(%dma_wait3A_152 : memref<128xi32, #tpu.memory_space<hbm>>) dst(%arg10 : memref<128xi32, #tpu.memory_space<vmem>>)
        %dma_wait3A_153 = arith.constant 0 : i32
        %dma_wait3A_154 = arith.constant 0 : i32
        %dma_wait3A_155 = tpu.memref_slice %arg5[%dma_wait3A_153, %dma_wait3A_154] : memref<6464x128xi32, #tpu.memory_space<hbm>> -> memref<1x128xi32, #tpu.memory_space<hbm>>
        %dma_wait3A_156 = tpu.memref_squeeze %dma_wait3A_155 : memref<1x128xi32, #tpu.memory_space<hbm>> -> memref<128xi32, #tpu.memory_space<hbm>>
        %dma_wait3A_157 = arith.constant 0 : i32
        %dma_wait3A_158 = tpu.memref_slice %arg5[%dma_wait3A_153, %dma_wait3A_157] : memref<6464x128xi32, #tpu.memory_space<hbm>> -> memref<1x128xi32, #tpu.memory_space<hbm>>
        %dma_wait3A_159 = tpu.memref_squeeze %dma_wait3A_158 : memref<1x128xi32, #tpu.memory_space<hbm>> -> memref<128xi32, #tpu.memory_space<hbm>>
        tpu.wait_dma2 semaphore(%arg18 : memref<!tpu.dma_semaphore, #tpu.memory_space<semaphore_mem>>) src(%dma_wait3A_159 : memref<128xi32, #tpu.memory_space<hbm>>) dst(%arg12 : memref<128xi32, #tpu.memory_space<vmem>>)
        %dma_start3A_160 = arith.constant 0 : i32
        %dma_start3A_161 = arith.constant 0 : i32
        %dma_start3A_162 = tpu.memref_slice %arg2[%dma_start3A_160, %dma_start3A_161] : memref<100000x32xbf16, #tpu.memory_space<hbm>> -> memref<100000x32xbf16, #tpu.memory_space<hbm>>
        tpu.enqueue_indirect_dma source(%dma_start3A_162 : memref<100000x32xbf16, #tpu.memory_space<hbm>>) target(%arg14 : memref<128x32xbf16, #tpu.memory_space<vmem>>) offsets(%arg10 : memref<128xi32, #tpu.memory_space<vmem>>) semaphore(%arg20 : memref<!tpu.dma_semaphore, #tpu.memory_space<semaphore_mem>>)
        %dma_start3A_163 = arith.constant 0 : i32
        %dma_start3A_164 = arith.constant 0 : i32
        %dma_start3A_165 = tpu.memref_slice %arg3[%dma_start3A_163, %dma_start3A_164] : memref<160x32xbf16, #tpu.memory_space<hbm>> -> memref<160x32xbf16, #tpu.memory_space<hbm>>
        tpu.enqueue_indirect_dma source(%dma_start3A_165 : memref<160x32xbf16, #tpu.memory_space<hbm>>) target(%arg16 : memref<128x32xbf16, #tpu.memory_space<vmem>>) offsets(%arg12 : memref<128xi32, #tpu.memory_space<vmem>>) semaphore(%arg20 : memref<!tpu.dma_semaphore, #tpu.memory_space<semaphore_mem>>)
      } else {
      }
      %dma_wait3A_81 = arith.constant 0 : i32
      %dma_wait3A_82 = arith.constant 0 : i32
      %dma_wait3A_83 = tpu.memref_slice %arg2[%dma_wait3A_81, %dma_wait3A_82] : memref<100000x32xbf16, #tpu.memory_space<hbm>> -> memref<100000x32xbf16, #tpu.memory_space<hbm>>
      tpu.wait_indirect_dma semaphore(%arg19 : memref<!tpu.dma_semaphore, #tpu.memory_space<semaphore_mem>>) src(%dma_wait3A_83 : memref<100000x32xbf16, #tpu.memory_space<hbm>>) dst(%arg13 : memref<128x32xbf16, #tpu.memory_space<vmem>>)
      %dma_wait3A_84 = arith.constant 0 : i32
      %dma_wait3A_85 = arith.constant 0 : i32
      %dma_wait3A_86 = tpu.memref_slice %arg3[%dma_wait3A_84, %dma_wait3A_85] : memref<160x32xbf16, #tpu.memory_space<hbm>> -> memref<160x32xbf16, #tpu.memory_space<hbm>>
      tpu.wait_indirect_dma semaphore(%arg19 : memref<!tpu.dma_semaphore, #tpu.memory_space<semaphore_mem>>) src(%dma_wait3A_86 : memref<160x32xbf16, #tpu.memory_space<hbm>>) dst(%arg15 : memref<128x32xbf16, #tpu.memory_space<vmem>>)
      %ge3A = arith.constant 2 : i32
      %ge3A_87 = arith.cmpi sge, %add3A_76, %ge3A : i32
      %convert_element_type3A_88 = arith.extui %ge3A_87 : i1 to i32
      %cond3A_89 = arith.constant 0 : i32
      %cond3A_90 = arith.cmpi ne, %convert_element_type3A_88, %cond3A_89 : i32
      scf.if %cond3A_90 {
        %dma_wait3A_146 = arith.constant 0 : i32
        %dma_wait3A_147 = arith.constant 0 : i32
        %dma_wait3A_148 = tpu.memref_slice %arg6[%dma_wait3A_146, %dma_wait3A_147] : memref<6464x4096xf32, #tpu.memory_space<hbm>> -> memref<1x4096xf32, #tpu.memory_space<hbm>>
        %dma_wait3A_149 = tpu.memref_squeeze %dma_wait3A_148 : memref<1x4096xf32, #tpu.memory_space<hbm>> -> memref<4096xf32, #tpu.memory_space<hbm>>
        %dma_wait3A_150 = arith.constant 0 : i32
        %dma_wait3A_151 = tpu.memref_slice %arg6[%dma_wait3A_146, %dma_wait3A_150] : memref<6464x4096xf32, #tpu.memory_space<hbm>> -> memref<1x4096xf32, #tpu.memory_space<hbm>>
        %dma_wait3A_152 = tpu.memref_squeeze %dma_wait3A_151 : memref<1x4096xf32, #tpu.memory_space<hbm>> -> memref<4096xf32, #tpu.memory_space<hbm>>
        tpu.wait_dma2 semaphore(%arg21 : memref<!tpu.dma_semaphore, #tpu.memory_space<semaphore_mem>>) src(%arg7 : memref<4096xf32, #tpu.memory_space<vmem>>) dst(%dma_wait3A_152 : memref<4096xf32, #tpu.memory_space<hbm>>)
      } else {
      }
      %parallel_loop3A = arith.constant 0 : i32
      %parallel_loop3A_91 = arith.constant 128 : i32
      %parallel_loop3A_92 = arith.constant 1 : i32
      scf.for %parallel_loop3A_146 = %parallel_loop3A to %parallel_loop3A_91 step %parallel_loop3A_92  : i32 {
        %parallel_loop3A_147 = arith.index_cast %parallel_loop3A_146 : i32 to index
        %parallel_loop3A_148 = arith.constant 0 : index
        %parallel_loop3A_149 = tpu.vector_load %arg13[%parallel_loop3A_147, %parallel_loop3A_148] {strides = array<i32>} : memref<128x32xbf16, #tpu.memory_space<vmem>>, vector<32xbf16>,
        %parallel_loop3A_150 = tpu.unpack_subelements %parallel_loop3A_149, 0 {pack_format = #tpu.pack_format<interleaved>} : vector<32xbf16> -> vector<16xf32>
        %parallel_loop3A_151 = tpu.unpack_subelements %parallel_loop3A_149, 1 {pack_format = #tpu.pack_format<interleaved>} : vector<32xbf16> -> vector<16xf32>
        %parallel_loop3A_152 = arith.index_cast %parallel_loop3A_146 : i32 to index
        %parallel_loop3A_153 = arith.constant 0 : index
        %parallel_loop3A_154 = tpu.vector_load %arg15[%parallel_loop3A_152, %parallel_loop3A_153] {strides = array<i32>} : memref<128x32xbf16, #tpu.memory_space<vmem>>, vector<32xbf16>,
        %parallel_loop3A_155 = tpu.unpack_subelements %parallel_loop3A_154, 0 {pack_format = #tpu.pack_format<interleaved>} : vector<32xbf16> -> vector<16xf32>
        %parallel_loop3A_156 = tpu.unpack_subelements %parallel_loop3A_154, 1 {pack_format = #tpu.pack_format<interleaved>} : vector<32xbf16> -> vector<16xf32>
        %parallel_loop3A_157 = arith.addf %parallel_loop3A_150, %parallel_loop3A_155 : vector<16xf32>
        %parallel_loop3A_158 = arith.constant 32 : i32
        %parallel_loop3A_159 = arith.muli %parallel_loop3A_146, %parallel_loop3A_158 : i32
        %parallel_loop3A_160 = arith.index_cast %parallel_loop3A_159 : i32 to index
        %parallel_loop3A_161 = tpu.vector_load %arg7[%parallel_loop3A_160] {strides = array<i32>} : memref<4096xf32, #tpu.memory_space<vmem>>, vector<16xf32>,
        tpu.vector_store %arg7[%parallel_loop3A_160], %parallel_loop3A_157 {strides = array<i32>} : memref<4096xf32, #tpu.memory_space<vmem>>, vector<16xf32>,
        %parallel_loop3A_162 = arith.addf %parallel_loop3A_151, %parallel_loop3A_156 : vector<16xf32>
        %parallel_loop3A_163 = arith.constant 32 : i32
        %parallel_loop3A_164 = arith.muli %parallel_loop3A_146, %parallel_loop3A_163 : i32
        %parallel_loop3A_165 = arith.constant 16 : i32
        %parallel_loop3A_166 = arith.addi %parallel_loop3A_164, %parallel_loop3A_165 : i32
        %parallel_loop3A_167 = arith.index_cast %parallel_loop3A_166 : i32 to index
        %parallel_loop3A_168 = tpu.vector_load %arg7[%parallel_loop3A_167] {strides = array<i32>} : memref<4096xf32, #tpu.memory_space<vmem>>, vector<16xf32>,
        tpu.vector_store %arg7[%parallel_loop3A_167], %parallel_loop3A_162 {strides = array<i32>} : memref<4096xf32, #tpu.memory_space<vmem>>, vector<16xf32>,
      } {sc.loop_unroll_factor = 4 : i64, sc.parallel_access}
      %add3A_93 = arith.addi %mul3A_2, %add3A_76 : i32
      %dma_start3A_94 = arith.constant 0 : i32
      %dma_start3A_95 = tpu.memref_slice %arg6[%add3A_93, %dma_start3A_94] : memref<6464x4096xf32, #tpu.memory_space<hbm>> -> memref<1x4096xf32, #tpu.memory_space<hbm>>
      %dma_start3A_96 = tpu.memref_squeeze %dma_start3A_95 : memref<1x4096xf32, #tpu.memory_space<hbm>> -> memref<4096xf32, #tpu.memory_space<hbm>>
      %dma_start3A_97 = arith.constant 0 : i32
      %dma_start3A_98 = tpu.memref_slice %arg6[%add3A_93, %dma_start3A_97] : memref<6464x4096xf32, #tpu.memory_space<hbm>> -> memref<1x4096xf32, #tpu.memory_space<hbm>>
      %dma_start3A_99 = tpu.memref_squeeze %dma_start3A_98 : memref<1x4096xf32, #tpu.memory_space<hbm>> -> memref<4096xf32, #tpu.memory_space<hbm>>
      tpu.enqueue_dma source(%arg7 : memref<4096xf32, #tpu.memory_space<vmem>>) target(%dma_start3A_99 : memref<4096xf32, #tpu.memory_space<hbm>>) target_semaphore(%arg21 : memref<!tpu.dma_semaphore, #tpu.memory_space<semaphore_mem>>)
      %add3A_100 = arith.constant 2 : i32
      %add3A_101 = arith.addi %add3A_76, %add3A_100 : i32
      %lt3A_102 = arith.constant 202 : i32
      %lt3A_103 = arith.cmpi slt, %add3A_101, %lt3A_102 : i32
      %convert_element_type3A_104 = arith.extui %lt3A_103 : i1 to i32
      %cond3A_105 = arith.constant 0 : i32
      %cond3A_106 = arith.cmpi ne, %convert_element_type3A_104, %cond3A_105 : i32
      scf.if %cond3A_106 {
        %add3A_146 = arith.constant 2 : i32
        %add3A_147 = arith.addi %add3A_76, %add3A_146 : i32
        %add3A_148 = arith.addi %mul3A_2, %add3A_147 : i32
        %dma_start3A_149 = arith.constant 0 : i32
        %dma_start3A_150 = tpu.memref_slice %arg4[%add3A_148, %dma_start3A_149] : memref<6464x128xi32, #tpu.memory_space<hbm>> -> memref<1x128xi32, #tpu.memory_space<hbm>>
        %dma_start3A_151 = tpu.memref_squeeze %dma_start3A_150 : memref<1x128xi32, #tpu.memory_space<hbm>> -> memref<128xi32, #tpu.memory_space<hbm>>
        %dma_start3A_152 = arith.constant 0 : i32
        %dma_start3A_153 = tpu.memref_slice %arg4[%add3A_148, %dma_start3A_152] : memref<6464x128xi32, #tpu.memory_space<hbm>> -> memref<1x128xi32, #tpu.memory_space<hbm>>
        %dma_start3A_154 = tpu.memref_squeeze %dma_start3A_153 : memref<1x128xi32, #tpu.memory_space<hbm>> -> memref<128xi32, #tpu.memory_space<hbm>>
        tpu.enqueue_dma source(%dma_start3A_154 : memref<128xi32, #tpu.memory_space<hbm>>) target(%arg9 : memref<128xi32, #tpu.memory_space<vmem>>) target_semaphore(%arg17 : memref<!tpu.dma_semaphore, #tpu.memory_space<semaphore_mem>>)
        %add3A_155 = arith.addi %mul3A_2, %add3A_147 : i32
        %dma_start3A_156 = arith.constant 0 : i32
        %dma_start3A_157 = tpu.memref_slice %arg5[%add3A_155, %dma_start3A_156] : memref<6464x128xi32, #tpu.memory_space<hbm>> -> memref<1x128xi32, #tpu.memory_space<hbm>>
        %dma_start3A_158 = tpu.memref_squeeze %dma_start3A_157 : memref<1x128xi32, #tpu.memory_space<hbm>> -> memref<128xi32, #tpu.memory_space<hbm>>
        %dma_start3A_159 = arith.constant 0 : i32
        %dma_start3A_160 = tpu.memref_slice %arg5[%add3A_155, %dma_start3A_159] : memref<6464x128xi32, #tpu.memory_space<hbm>> -> memref<1x128xi32, #tpu.memory_space<hbm>>
        %dma_start3A_161 = tpu.memref_squeeze %dma_start3A_160 : memref<1x128xi32, #tpu.memory_space<hbm>> -> memref<128xi32, #tpu.memory_space<hbm>>
        tpu.enqueue_dma source(%dma_start3A_161 : memref<128xi32, #tpu.memory_space<hbm>>) target(%arg11 : memref<128xi32, #tpu.memory_space<vmem>>) target_semaphore(%arg17 : memref<!tpu.dma_semaphore, #tpu.memory_space<semaphore_mem>>)
      } else {
      }
      %mul3A_107 = arith.constant 2 : i32
      %mul3A_108 = arith.muli %mul3A_107, %scan3A_72 : i32
      %add3A_109 = arith.constant 1 : i32
      %add3A_110 = arith.addi %mul3A_108, %add3A_109 : i32
      %add3A_111 = arith.constant 1 : i32
      %add3A_112 = arith.addi %add3A_110, %add3A_111 : i32
      %lt3A_113 = arith.constant 202 : i32
      %lt3A_114 = arith.cmpi slt, %add3A_112, %lt3A_113 : i32
      %convert_element_type3A_115 = arith.extui %lt3A_114 : i1 to i32
      %cond3A_116 = arith.constant 0 : i32
      %cond3A_117 = arith.cmpi ne, %convert_element_type3A_115, %cond3A_116 : i32
      scf.if %cond3A_117 {
        %dma_wait3A_146 = arith.constant 0 : i32
        %dma_wait3A_147 = arith.constant 0 : i32
        %dma_wait3A_148 = tpu.memref_slice %arg4[%dma_wait3A_146, %dma_wait3A_147] : memref<6464x128xi32, #tpu.memory_space<hbm>> -> memref<1x128xi32, #tpu.memory_space<hbm>>
        %dma_wait3A_149 = tpu.memref_squeeze %dma_wait3A_148 : memref<1x128xi32, #tpu.memory_space<hbm>> -> memref<128xi32, #tpu.memory_space<hbm>>
        %dma_wait3A_150 = arith.constant 0 : i32
        %dma_wait3A_151 = tpu.memref_slice %arg4[%dma_wait3A_146, %dma_wait3A_150] : memref<6464x128xi32, #tpu.memory_space<hbm>> -> memref<1x128xi32, #tpu.memory_space<hbm>>
        %dma_wait3A_152 = tpu.memref_squeeze %dma_wait3A_151 : memref<1x128xi32, #tpu.memory_space<hbm>> -> memref<128xi32, #tpu.memory_space<hbm>>
        tpu.wait_dma2 semaphore(%arg17 : memref<!tpu.dma_semaphore, #tpu.memory_space<semaphore_mem>>) src(%dma_wait3A_152 : memref<128xi32, #tpu.memory_space<hbm>>) dst(%arg9 : memref<128xi32, #tpu.memory_space<vmem>>)
        %dma_wait3A_153 = arith.constant 0 : i32
        %dma_wait3A_154 = arith.constant 0 : i32
        %dma_wait3A_155 = tpu.memref_slice %arg5[%dma_wait3A_153, %dma_wait3A_154] : memref<6464x128xi32, #tpu.memory_space<hbm>> -> memref<1x128xi32, #tpu.memory_space<hbm>>
        %dma_wait3A_156 = tpu.memref_squeeze %dma_wait3A_155 : memref<1x128xi32, #tpu.memory_space<hbm>> -> memref<128xi32, #tpu.memory_space<hbm>>
        %dma_wait3A_157 = arith.constant 0 : i32
        %dma_wait3A_158 = tpu.memref_slice %arg5[%dma_wait3A_153, %dma_wait3A_157] : memref<6464x128xi32, #tpu.memory_space<hbm>> -> memref<1x128xi32, #tpu.memory_space<hbm>>
        %dma_wait3A_159 = tpu.memref_squeeze %dma_wait3A_158 : memref<1x128xi32, #tpu.memory_space<hbm>> -> memref<128xi32, #tpu.memory_space<hbm>>
        tpu.wait_dma2 semaphore(%arg17 : memref<!tpu.dma_semaphore, #tpu.memory_space<semaphore_mem>>) src(%dma_wait3A_159 : memref<128xi32, #tpu.memory_space<hbm>>) dst(%arg11 : memref<128xi32, #tpu.memory_space<vmem>>)
        %dma_start3A_160 = arith.constant 0 : i32
        %dma_start3A_161 = arith.constant 0 : i32
        %dma_start3A_162 = tpu.memref_slice %arg2[%dma_start3A_160, %dma_start3A_161] : memref<100000x32xbf16, #tpu.memory_space<hbm>> -> memref<100000x32xbf16, #tpu.memory_space<hbm>>
        tpu.enqueue_indirect_dma source(%dma_start3A_162 : memref<100000x32xbf16, #tpu.memory_space<hbm>>) target(%arg13 : memref<128x32xbf16, #tpu.memory_space<vmem>>) offsets(%arg9 : memref<128xi32, #tpu.memory_space<vmem>>) semaphore(%arg19 : memref<!tpu.dma_semaphore, #tpu.memory_space<semaphore_mem>>)
        %dma_start3A_163 = arith.constant 0 : i32
        %dma_start3A_164 = arith.constant 0 : i32
        %dma_start3A_165 = tpu.memref_slice %arg3[%dma_start3A_163, %dma_start3A_164] : memref<160x32xbf16, #tpu.memory_space<hbm>> -> memref<160x32xbf16, #tpu.memory_space<hbm>>
        tpu.enqueue_indirect_dma source(%dma_start3A_165 : memref<160x32xbf16, #tpu.memory_space<hbm>>) target(%arg15 : memref<128x32xbf16, #tpu.memory_space<vmem>>) offsets(%arg11 : memref<128xi32, #tpu.memory_space<vmem>>) semaphore(%arg19 : memref<!tpu.dma_semaphore, #tpu.memory_space<semaphore_mem>>)
      } else {
      }
      %dma_wait3A_118 = arith.constant 0 : i32
      %dma_wait3A_119 = arith.constant 0 : i32
      %dma_wait3A_120 = tpu.memref_slice %arg2[%dma_wait3A_118, %dma_wait3A_119] : memref<100000x32xbf16, #tpu.memory_space<hbm>> -> memref<100000x32xbf16, #tpu.memory_space<hbm>>
      tpu.wait_indirect_dma semaphore(%arg20 : memref<!tpu.dma_semaphore, #tpu.memory_space<semaphore_mem>>) src(%dma_wait3A_120 : memref<100000x32xbf16, #tpu.memory_space<hbm>>) dst(%arg14 : memref<128x32xbf16, #tpu.memory_space<vmem>>)
      %dma_wait3A_121 = arith.constant 0 : i32
      %dma_wait3A_122 = arith.constant 0 : i32
      %dma_wait3A_123 = tpu.memref_slice %arg3[%dma_wait3A_121, %dma_wait3A_122] : memref<160x32xbf16, #tpu.memory_space<hbm>> -> memref<160x32xbf16, #tpu.memory_space<hbm>>
      tpu.wait_indirect_dma semaphore(%arg20 : memref<!tpu.dma_semaphore, #tpu.memory_space<semaphore_mem>>) src(%dma_wait3A_123 : memref<160x32xbf16, #tpu.memory_space<hbm>>) dst(%arg16 : memref<128x32xbf16, #tpu.memory_space<vmem>>)
      %ge3A_124 = arith.constant 2 : i32
      %ge3A_125 = arith.cmpi sge, %add3A_110, %ge3A_124 : i32
      %convert_element_type3A_126 = arith.extui %ge3A_125 : i1 to i32
      %cond3A_127 = arith.constant 0 : i32
      %cond3A_128 = arith.cmpi ne, %convert_element_type3A_126, %cond3A_127 : i32
      scf.if %cond3A_128 {
        %dma_wait3A_146 = arith.constant 0 : i32
        %dma_wait3A_147 = arith.constant 0 : i32
        %dma_wait3A_148 = tpu.memref_slice %arg6[%dma_wait3A_146, %dma_wait3A_147] : memref<6464x4096xf32, #tpu.memory_space<hbm>> -> memref<1x4096xf32, #tpu.memory_space<hbm>>
        %dma_wait3A_149 = tpu.memref_squeeze %dma_wait3A_148 : memref<1x4096xf32, #tpu.memory_space<hbm>> -> memref<4096xf32, #tpu.memory_space<hbm>>
        %dma_wait3A_150 = arith.constant 0 : i32
        %dma_wait3A_151 = tpu.memref_slice %arg6[%dma_wait3A_146, %dma_wait3A_150] : memref<6464x4096xf32, #tpu.memory_space<hbm>> -> memref<1x4096xf32, #tpu.memory_space<hbm>>
        %dma_wait3A_152 = tpu.memref_squeeze %dma_wait3A_151 : memref<1x4096xf32, #tpu.memory_space<hbm>> -> memref<4096xf32, #tpu.memory_space<hbm>>
        tpu.wait_dma2 semaphore(%arg22 : memref<!tpu.dma_semaphore, #tpu.memory_space<semaphore_mem>>) src(%arg8 : memref<4096xf32, #tpu.memory_space<vmem>>) dst(%dma_wait3A_152 : memref<4096xf32, #tpu.memory_space<hbm>>)
      } else {
      }
      %parallel_loop3A_129 = arith.constant 0 : i32
      %parallel_loop3A_130 = arith.constant 128 : i32
      %parallel_loop3A_131 = arith.constant 1 : i32
      scf.for %parallel_loop3A_146 = %parallel_loop3A_129 to %parallel_loop3A_130 step %parallel_loop3A_131  : i32 {
        %parallel_loop3A_147 = arith.index_cast %parallel_loop3A_146 : i32 to index
        %parallel_loop3A_148 = arith.constant 0 : index
        %parallel_loop3A_149 = tpu.vector_load %arg14[%parallel_loop3A_147, %parallel_loop3A_148] {strides = array<i32>} : memref<128x32xbf16, #tpu.memory_space<vmem>>, vector<32xbf16>,
        %parallel_loop3A_150 = tpu.unpack_subelements %parallel_loop3A_149, 0 {pack_format = #tpu.pack_format<interleaved>} : vector<32xbf16> -> vector<16xf32>
        %parallel_loop3A_151 = tpu.unpack_subelements %parallel_loop3A_149, 1 {pack_format = #tpu.pack_format<interleaved>} : vector<32xbf16> -> vector<16xf32>
        %parallel_loop3A_152 = arith.index_cast %parallel_loop3A_146 : i32 to index
        %parallel_loop3A_153 = arith.constant 0 : index
        %parallel_loop3A_154 = tpu.vector_load %arg16[%parallel_loop3A_152, %parallel_loop3A_153] {strides = array<i32>} : memref<128x32xbf16, #tpu.memory_space<vmem>>, vector<32xbf16>,
        %parallel_loop3A_155 = tpu.unpack_subelements %parallel_loop3A_154, 0 {pack_format = #tpu.pack_format<interleaved>} : vector<32xbf16> -> vector<16xf32>
        %parallel_loop3A_156 = tpu.unpack_subelements %parallel_loop3A_154, 1 {pack_format = #tpu.pack_format<interleaved>} : vector<32xbf16> -> vector<16xf32>
        %parallel_loop3A_157 = arith.addf %parallel_loop3A_150, %parallel_loop3A_155 : vector<16xf32>
        %parallel_loop3A_158 = arith.constant 32 : i32
        %parallel_loop3A_159 = arith.muli %parallel_loop3A_146, %parallel_loop3A_158 : i32
        %parallel_loop3A_160 = arith.index_cast %parallel_loop3A_159 : i32 to index
        %parallel_loop3A_161 = tpu.vector_load %arg8[%parallel_loop3A_160] {strides = array<i32>} : memref<4096xf32, #tpu.memory_space<vmem>>, vector<16xf32>,
        tpu.vector_store %arg8[%parallel_loop3A_160], %parallel_loop3A_157 {strides = array<i32>} : memref<4096xf32, #tpu.memory_space<vmem>>, vector<16xf32>,
        %parallel_loop3A_162 = arith.addf %parallel_loop3A_151, %parallel_loop3A_156 : vector<16xf32>
        %parallel_loop3A_163 = arith.constant 32 : i32
        %parallel_loop3A_164 = arith.muli %parallel_loop3A_146, %parallel_loop3A_163 : i32
        %parallel_loop3A_165 = arith.constant 16 : i32
        %parallel_loop3A_166 = arith.addi %parallel_loop3A_164, %parallel_loop3A_165 : i32
        %parallel_loop3A_167 = arith.index_cast %parallel_loop3A_166 : i32 to index
        %parallel_loop3A_168 = tpu.vector_load %arg8[%parallel_loop3A_167] {strides = array<i32>} : memref<4096xf32, #tpu.memory_space<vmem>>, vector<16xf32>,
        tpu.vector_store %arg8[%parallel_loop3A_167], %parallel_loop3A_162 {strides = array<i32>} : memref<4096xf32, #tpu.memory_space<vmem>>, vector<16xf32>,
      } {sc.loop_unroll_factor = 4 : i64, sc.parallel_access}
      %add3A_132 = arith.addi %mul3A_2, %add3A_110 : i32
      %dma_start3A_133 = arith.constant 0 : i32
      %dma_start3A_134 = tpu.memref_slice %arg6[%add3A_132, %dma_start3A_133] : memref<6464x4096xf32, #tpu.memory_space<hbm>> -> memref<1x4096xf32, #tpu.memory_space<hbm>>
      %dma_start3A_135 = tpu.memref_squeeze %dma_start3A_134 : memref<1x4096xf32, #tpu.memory_space<hbm>> -> memref<4096xf32, #tpu.memory_space<hbm>>
      %dma_start3A_136 = arith.constant 0 : i32
      %dma_start3A_137 = tpu.memref_slice %arg6[%add3A_132, %dma_start3A_136] : memref<6464x4096xf32, #tpu.memory_space<hbm>> -> memref<1x4096xf32, #tpu.memory_space<hbm>>
      %dma_start3A_138 = tpu.memref_squeeze %dma_start3A_137 : memref<1x4096xf32, #tpu.memory_space<hbm>> -> memref<4096xf32, #tpu.memory_space<hbm>>
      tpu.enqueue_dma source(%arg8 : memref<4096xf32, #tpu.memory_space<vmem>>) target(%dma_start3A_138 : memref<4096xf32, #tpu.memory_space<hbm>>) target_semaphore(%arg22 : memref<!tpu.dma_semaphore, #tpu.memory_space<semaphore_mem>>)
      %add3A_139 = arith.constant 2 : i32
      %add3A_140 = arith.addi %add3A_110, %add3A_139 : i32
      %lt3A_141 = arith.constant 202 : i32
      %lt3A_142 = arith.cmpi slt, %add3A_140, %lt3A_141 : i32
      %convert_element_type3A_143 = arith.extui %lt3A_142 : i1 to i32
      %cond3A_144 = arith.constant 0 : i32
      %cond3A_145 = arith.cmpi ne, %convert_element_type3A_143, %cond3A_144 : i32
      scf.if %cond3A_145 {
        %add3A_146 = arith.constant 2 : i32
        %add3A_147 = arith.addi %add3A_110, %add3A_146 : i32
        %add3A_148 = arith.addi %mul3A_2, %add3A_147 : i32
        %dma_start3A_149 = arith.constant 0 : i32
        %dma_start3A_150 = tpu.memref_slice %arg4[%add3A_148, %dma_start3A_149] : memref<6464x128xi32, #tpu.memory_space<hbm>> -> memref<1x128xi32, #tpu.memory_space<hbm>>
        %dma_start3A_151 = tpu.memref_squeeze %dma_start3A_150 : memref<1x128xi32, #tpu.memory_space<hbm>> -> memref<128xi32, #tpu.memory_space<hbm>>
        %dma_start3A_152 = arith.constant 0 : i32
        %dma_start3A_153 = tpu.memref_slice %arg4[%add3A_148, %dma_start3A_152] : memref<6464x128xi32, #tpu.memory_space<hbm>> -> memref<1x128xi32, #tpu.memory_space<hbm>>
        %dma_start3A_154 = tpu.memref_squeeze %dma_start3A_153 : memref<1x128xi32, #tpu.memory_space<hbm>> -> memref<128xi32, #tpu.memory_space<hbm>>
        tpu.enqueue_dma source(%dma_start3A_154 : memref<128xi32, #tpu.memory_space<hbm>>) target(%arg10 : memref<128xi32, #tpu.memory_space<vmem>>) target_semaphore(%arg18 : memref<!tpu.dma_semaphore, #tpu.memory_space<semaphore_mem>>)
        %add3A_155 = arith.addi %mul3A_2, %add3A_147 : i32
        %dma_start3A_156 = arith.constant 0 : i32
        %dma_start3A_157 = tpu.memref_slice %arg5[%add3A_155, %dma_start3A_156] : memref<6464x128xi32, #tpu.memory_space<hbm>> -> memref<1x128xi32, #tpu.memory_space<hbm>>
        %dma_start3A_158 = tpu.memref_squeeze %dma_start3A_157 : memref<1x128xi32, #tpu.memory_space<hbm>> -> memref<128xi32, #tpu.memory_space<hbm>>
        %dma_start3A_159 = arith.constant 0 : i32
        %dma_start3A_160 = tpu.memref_slice %arg5[%add3A_155, %dma_start3A_159] : memref<6464x128xi32, #tpu.memory_space<hbm>> -> memref<1x128xi32, #tpu.memory_space<hbm>>
        %dma_start3A_161 = tpu.memref_squeeze %dma_start3A_160 : memref<1x128xi32, #tpu.memory_space<hbm>> -> memref<128xi32, #tpu.memory_space<hbm>>
        tpu.enqueue_dma source(%dma_start3A_161 : memref<128xi32, #tpu.memory_space<hbm>>) target(%arg12 : memref<128xi32, #tpu.memory_space<vmem>>) target_semaphore(%arg18 : memref<!tpu.dma_semaphore, #tpu.memory_space<semaphore_mem>>)
      } else {
      }
    }
    %scan3A_57 = arith.constant 101 : i32
    %dma_wait3A_58 = arith.constant 0 : i32
    %dma_wait3A_59 = arith.constant 0 : i32
    %dma_wait3A_60 = tpu.memref_slice %arg6[%dma_wait3A_58, %dma_wait3A_59] : memref<6464x4096xf32, #tpu.memory_space<hbm>> -> memref<1x4096xf32, #tpu.memory_space<hbm>>
    %dma_wait3A_61 = tpu.memref_squeeze %dma_wait3A_60 : memref<1x4096xf32, #tpu.memory_space<hbm>> -> memref<4096xf32, #tpu.memory_space<hbm>>
    %dma_wait3A_62 = arith.constant 0 : i32
    %dma_wait3A_63 = tpu.memref_slice %arg6[%dma_wait3A_58, %dma_wait3A_62] : memref<6464x4096xf32, #tpu.memory_space<hbm>> -> memref<1x4096xf32, #tpu.memory_space<hbm>>
    %dma_wait3A_64 = tpu.memref_squeeze %dma_wait3A_63 : memref<1x4096xf32, #tpu.memory_space<hbm>> -> memref<4096xf32, #tpu.memory_space<hbm>>
    tpu.wait_dma2 semaphore(%arg21 : memref<!tpu.dma_semaphore, #tpu.memory_space<semaphore_mem>>) src(%arg7 : memref<4096xf32, #tpu.memory_space<vmem>>) dst(%dma_wait3A_64 : memref<4096xf32, #tpu.memory_space<hbm>>)
    %dma_wait3A_65 = arith.constant 0 : i32
    %dma_wait3A_66 = arith.constant 0 : i32
    %dma_wait3A_67 = tpu.memref_slice %arg6[%dma_wait3A_65, %dma_wait3A_66] : memref<6464x4096xf32, #tpu.memory_space<hbm>> -> memref<1x4096xf32, #tpu.memory_space<hbm>>
    %dma_wait3A_68 = tpu.memref_squeeze %dma_wait3A_67 : memref<1x4096xf32, #tpu.memory_space<hbm>> -> memref<4096xf32, #tpu.memory_space<hbm>>
    %dma_wait3A_69 = arith.constant 0 : i32
    %dma_wait3A_70 = tpu.memref_slice %arg6[%dma_wait3A_65, %dma_wait3A_69] : memref<6464x4096xf32, #tpu.memory_space<hbm>> -> memref<1x4096xf32, #tpu.memory_space<hbm>>
    %dma_wait3A_71 = tpu.memref_squeeze %dma_wait3A_70 : memref<1x4096xf32, #tpu.memory_space<hbm>> -> memref<4096xf32, #tpu.memory_space<hbm>>
    tpu.wait_dma2 semaphore(%arg22 : memref<!tpu.dma_semaphore, #tpu.memory_space<semaphore_mem>>) src(%arg8 : memref<4096xf32, #tpu.memory_space<vmem>>) dst(%dma_wait3A_71 : memref<4096xf32, #tpu.memory_space<hbm>>)
    return
  }
}

</mosaic_0001>

<sc_bundles>
// kernel: kernel.3.cloned.1.call-start
scs
__scs_entry_jumppad:
0x0: {  	(pc) =	sbr.rel $0x88, $3  }
0x1: {  	(tag) =	ssettag $0x0;
	lr =	simm.s32 $0x1  }
0x2: {  	[smem:$0x3F99] =	sst lr;
	_ =	strace $0xD0000000  }
0x3: {  	_ = 	snop  }
0x4: {  	_ = 	snop  }
0x5: {  	_ = 	snop  }
0x6: {  	_ = 	snop  }
0x7: {  	_ = 	snop  }
__scs_overlays_trampoline_lowered:
0x8: {  	[smem:$0x3FA8] =	sst s0  }
0x9: {  	[smem:$0x3FA9] =	sst s1  }
0xa: {  	[smem:$0x3FAA] =	sst s2  }
0xb: {  	[smem:$0x3FAB] =	sst s3  }
0xc: {  	[smem:$0x3FAC] =	sst s4  }
0xd: {  	[smem:$0x3FAD] =	sst s5  }
0xe: {  	[smem:$0x3FAE] =	sst s6  }
0xf: {  	[smem:$0x3FAF] =	sst s7  }
0x10: {  	[smem:$0x3FB0] =	sst s8  }
0x11: {  	[smem:$0x3FB1] =	sst s9;
	s0 =	simm.s32 @!p0 $0x0  }
0x12: {  	s1 =	sld [smem:$0x3F97];
	s0 =	simm.s32 @p0 $0x1  }
0x13: {  	[smem:$0x3FB2] =	sst s0;
	s0 =	simm.s32 @!p1 $0x0  }
0x14: {  	s2 =	sld [smem:$0x3F96];
	s0 =	simm.s32 @p1 $0x1  }
0x15: {  	[smem:$0x3FB3] =	sst s0;
	s0 =	simm.s32 @!p2 $0x0  }
0x16: {  	s3 =	sld [smem:$0x3FDB];
	s0 =	simm.s32 @p2 $0x1  }
0x17: {  	s4 =	simm.s32 $0x1BF5;
	[smem:$0x3FB5] =	sst s0  }
0x18: {  	s0 =	sld [smem:$0x3F98];
	_ =	swait.ge [sflag:s4], $0x0  }
0x19: {  	s7 =	sld [smem:$0x3F99]  }
0x1a: {  	s8 =	sadd.s32 $0xFFFFE003, lr  }
0x1b: {  	s9 =	sadd.s32 $0xFFFFFEF7, lr;
	s5 =	simm.s32 $0xFFFFFFFF;
	p2 =	slt.u32 s8, $0xFFFFF086  }
0x1c: {  	p1 =	slt.u32 s9, $0xF7A;
	s5 =	simm.s32 @!p2 $0x0  }
0x1d: {  	s5 =	simm.s32 @p1 $0x1;
	p0 =	seq.s32 s7, s2  }
0x1e: {  	s7 =	smul.u32 @!p0 $0xF7A, s2;
	p2 =	seq.s32 @!p0 s5, $0x0  }
0x1f: {  	s9 =	smul.u32 $0xF7A, s1;
	s8 =	simm.s32 @!p0 $0x1BF5;
	p2 =	por !p2, p0  }
0x20: {  	[sflag:s8] =	ssyncset.s32 @!p0 $0xFFFFF086;
	s6 =	sadd.s32 @!p0 s3, s7;
	s7 =	simm.s32 @!p0 $0x108  }
0x21: {  	s3 =	sadd.s32 s3, s9;
	s6 =	sadd.s32 @!p0 $0x88, s6;
	s7 =	simm.s32 @p2 $0x1082  }
0x22: {  	[simem:s7], [sflag:s8] =	dma.local @!p0 [hbm:s6], $0xF7A  }
0x23: {  	s9 =	sor.u32 $0xD0000000, s2;
	s6 =	simm.s32 $0x108;
	_ =	swait.ge @!p0 [sflag:s8], $0x0  }
0x24: {  	s3 =	sadd.s32 $0x88, s3;
	s6 =	simm.s32 @!p1 $0x1082;
	[sflag:s4] =	ssyncset.s32 $0xFFFFF086  }
0x25: {  	[simem:s6], [sflag:s4] =	dma.local [hbm:s3], $0xF7A  }
0x26: {  	[smem:$0x3F99] =	sst s1;
	(tag) =	ssettag s2;
	_ =	strace s9  }
0x27: {  	s1 =	sld [smem:$0x3FA9]  }
0x28: {  	s2 =	sld [smem:$0x3FAA]  }
0x29: {  	s4 =	sld [smem:$0x3FAC]  }
0x2a: {  	p0 =	seq.s32 s5, $0x0;
	s5 =	sld [smem:$0x3FAD]  }
0x2b: {  	s6 =	sld [smem:$0x3FAE]  }
0x2c: {  	s7 =	sld [smem:$0x3FAF]  }
0x2d: {  	s3 =	simm.s32 $0x108;
	s8 =	sld [smem:$0x3FB0]  }
0x2e: {  	s3 =	simm.s32 @!p0 $0x1082;
	s9 =	sld [smem:$0x3FB1]  }
0x2f: {  	lr =	sadd.s32 s0, s3;
	s0 =	sld [smem:$0x3FA8]  }
0x30: {  	s3 =	sld [smem:$0x3FAB]  }
0x31: {  	[smem:$0x3FB4] =	sst s10  }
0x32: {  	s10 =	sld [smem:$0x3FB2];
	_ =	sdelay $0x3  }
0x33: {  	p0 =	seq.s32 s10, $0x1;
	s10 =	sld [smem:$0x3FB4];
	_ =	sdelay $0x3  }
0x34: {  	[smem:$0x3FB4] =	sst s10  }
0x35: {  	s10 =	sld [smem:$0x3FB3];
	_ =	sdelay $0x3  }
0x36: {  	p1 =	seq.s32 s10, $0x1;
	s10 =	sld [smem:$0x3FB4];
	_ =	sdelay $0x3  }
0x37: {  	[smem:$0x3FB4] =	sst s10  }
0x38: {  	s10 =	sld [smem:$0x3FB5]  }
0x39: {  	_ = 	snop;
	(pc) =	sbr.ind lr, $3  }
0x3a: {  	_ = 	snop  }
0x3b: {  	_ = 	snop  }
0x3c: {  	p2 =	seq.s32 s10, $0x1;
	s10 =	sld [smem:$0x3FB4]  }
0x3d: {  	_ =	shalt  }
0x3e: {  	_ =	shalt  }
0x3f: {  	_ =	shalt  }
0x40: {  	_ =	shalt  }
0x41: {  	_ =	shalt  }
0x42: {  	_ =	shalt  }
0x43: {  	_ =	shalt  }
0x44: {  	_ =	shalt  }
0x45: {  	_ =	shalt  }
0x46: {  	_ =	shalt  }
0x47: {  	_ =	shalt  }
0x48: {  	_ =	shalt  }
0x49: {  	_ =	shalt  }
0x4a: {  	_ =	shalt  }
0x4b: {  	_ =	shalt  }
0x4c: {  	_ =	shalt  }
0x4d: {  	_ =	shalt  }
0x4e: {  	_ =	shalt  }
0x4f: {  	_ =	shalt  }
0x50: {  	_ =	shalt  }
0x51: {  	_ =	shalt  }
0x52: {  	_ =	shalt  }
0x53: {  	_ =	shalt  }
0x54: {  	_ =	shalt  }
0x55: {  	_ =	shalt  }
0x56: {  	_ =	shalt  }
0x57: {  	_ =	shalt  }
0x58: {  	_ =	shalt  }
0x59: {  	_ =	shalt  }
0x5a: {  	_ =	shalt  }
0x5b: {  	_ =	shalt  }
0x5c: {  	_ =	shalt  }
0x5d: {  	_ =	shalt  }
0x5e: {  	_ =	shalt  }
0x5f: {  	_ =	shalt  }
0x60: {  	_ =	shalt  }
0x61: {  	_ =	shalt  }
0x62: {  	_ =	shalt  }
0x63: {  	_ =	shalt  }
0x64: {  	_ =	shalt  }
0x65: {  	_ =	shalt  }
0x66: {  	_ =	shalt  }
0x67: {  	_ =	shalt  }
0x68: {  	_ =	shalt  }
0x69: {  	_ =	shalt  }
0x6a: {  	_ =	shalt  }
0x6b: {  	_ =	shalt  }
0x6c: {  	_ =	shalt  }
0x6d: {  	_ =	shalt  }
0x6e: {  	_ =	shalt  }
0x6f: {  	_ =	shalt  }
0x70: {  	_ =	shalt  }
0x71: {  	_ =	shalt  }
0x72: {  	_ =	shalt  }
0x73: {  	_ =	shalt  }
0x74: {  	_ =	shalt  }
0x75: {  	_ =	shalt  }
0x76: {  	_ =	shalt  }
0x77: {  	_ =	shalt  }
0x78: {  	_ =	shalt  }
0x79: {  	_ =	shalt  }
0x7a: {  	_ =	shalt  }
0x7b: {  	_ =	shalt  }
0x7c: {  	_ =	shalt  }
0x7d: {  	_ =	shalt  }
0x7e: {  	_ =	shalt  }
0x7f: {  	_ =	shalt  }
0x80: {  	_ =	shalt  }
0x81: {  	_ =	shalt  }
0x82: {  	_ =	shalt  }
0x83: {  	_ =	shalt  }
0x84: {  	_ =	shalt  }
0x85: {  	_ =	shalt  }
0x86: {  	_ =	shalt  }
0x87: {  	_ =	shalt  }
.Lfunc_end0:
.L_simem_size_0:
called_computation.1_lowered:
.L_overlay_start_0:
0x88: {  	s2 =	sld [smem:$0x3FD9]  }
0x89: {  	s3 =	sld [smem:$0x3FFE];
	_ =	sdelay $0x1  }
0x8a: {  	s1 =	srdreg.scid  }
0x8b: {  	s0 =	sand.u32 $0x1, s1  }
0x8c: {  	s17 =	sshll.u32 s0, $0xA;
	s2 =	sadd.s32 s3, s2  }
0x8d: {  	s2 =	sadd.s32 s2, s17  }
0x8e: {  	[smem:$0x3FC0] =	sst s2  }
0x8f: {  	_ = 	snop  }
0x90: {  	s2 =	sld [smem:$0x3FD0];
	(tm) =	ssettm $0x1  }
0x91: {  	s18 =	sld [smem:$0x3FFB];
	_ =	sdelay $0x3  }
0x92: {  	_ =	strace s18  }
0x93: {  	s3 =	sld [smem:$0x3FFC];
	_ =	sdelay $0x3  }
0x94: {  	_ =	strace s3  }
0x95: {  	s3 =	sld [smem:$0x3FFD];
	_ =	sdelay $0x3  }
0x96: {  	_ =	strace s3  }
0x97: {  	_ =	strace $0x8FFFFFFF  }
0x98: {  	s19 =	sld [smem:$0x3FDB];
	_ =	sdelay $0x1  }
0x99: {  	s4 =	simm.s32 $_scs_section_size  }
0x9a: {  	s5 =	simm.s32 $_size__tile_overlayer_lowered;
	s6 =	simm.s32 $_tile_overlayer_lowered  }
0x9b: {  	s22 =	simm.s32 $0x1BFF;
	s21 =	sshll.u32 s6, $0x1;
	s3 =	sadd.s32 s4, s19  }
0x9c: {  	s7 =	simm.s32 $0x0;
	s20 =	sshll.u32 s5, $0x1;
	s5 =	sadd.s32 s21, s3  }
0x9d: {  	[timem:s7], [sflag:s22] =	dma.local [hbm:s5], s20  }
0x9e: {  	_ =	swait.ge [sflag:s22], s20  }
0x9f: {  	s4 =	ssub.s32 $0x0, s20;
	[sflag:s22] =	ssyncset.done $0x0  }
0xa0: {  	[sflag:s22] =	ssyncadd.s32 s4;
	_ =	sdelay $0x1  }
0xa1: {  	s23 =	simm.s32 $0x1B8B  }
0xa2: {  	_ =	swait.ge [sflag:s23], $0x1  }
0xa3: {  	[sflag:s23] =	ssyncset.done $0x0  }
0xa4: {  	s25 =	simm.s32 $0x1B8E;
	s24 =	sld [smem:$0x3FFE];
	[sflag:s23] =	ssyncadd.s32 $0xFFFFFFFF  }
0xa5: {  	s26 =	simm.s32 $execute0_lowered;
	[smem:$0x3FD2] =	sst s25  }
0xa6: {  	s5 =	sshll.u32 s26, $0x1;
	_ =	strace $0x80000046;
	[dreg:$0x1] =	wrdreg $0xFFFFFFFF  }
0xa7: {  	s28 =	simm.s32 $_size_execute0_lowered;
	s3 =	sadd.s32 s3, s5;
	[dreg:$0x0] =	wrdreg $0x0  }
0xa8: {  	s5 =	sshll.u32 s28, $0x1;
	[dreg:$0x2] =	wrdreg s3  }
0xa9: {  	[dreg:$0x3] =	wrdreg s5  }
0xaa: {  	[dreg:$0x4] =	wrdreg $0xC0  }
0xab: {  	_ =	task [dreg:s7], $0x5FFFF  }
0xac: {  	[dreg:$0x1] =	wrdreg $0xFFFFFFFF  }
0xad: {  	[dreg:$0x0] =	wrdreg $0x60  }
0xae: {  	[dreg:$0x2] =	wrdreg s24  }
0xaf: {  	[dreg:$0x3] =	wrdreg s2  }
0xb0: {  	[dreg:$0x4] =	wrdreg $0x9  }
0xb1: {  	_ =	task.clear_ibuf [dreg:s7], $0x5FFFF;
	_ =	strace $0x90000046  }
0xb2: {  	s29 =	simm.s32 $0x9;
	_ =	strace $0x80000048  }
0xb3: {  	_ =	swait.ge [sflag:s29], $0x1  }
0xb4: {  	[sflag:s29] =	ssyncadd.s32 $0xFFFFFFFF  }
0xb5: {  	_ =	strace $0x90000048  }
0xb6: {  	_ =	sfence  }
0xb7: {  	s30 =	sld [smem:$0x0];
	_ =	sdelay $0x2  }
0xb8: {  	s31 =	sshll.u32 s1, $0xD;
	s1 =	sshrl.u32 s1, $0x2  }
0xb9: {  	s3 =	sand.u32 $0x4000, s31;
	s1 =	sadd.s32 s1, s30  }
0xba: {  	s0 =	sor.u32 s3, s0;
	s1 =	sshll.u32 s1, $0x11  }
0xbb: {  	s0 =	sor.u32 s1, s0  }
0xbc: {  	s0 =	sadd.s32 $0x8F2B, s0  }
0xbd: {  	[sflag:s0] =	ssyncadd.remote.s32 $0x1  }
0xbe: {  	_ =	sfence.sel $0xFFFF  }
0xbf: {  	[dreg:$0x0] =	wrdreg $0xFFFFFFFF;
	(pc) =	sbr.abs _section_cstart, $3  }
0xc0: {  	[dreg:$0x1] =	wrdreg $0xFFFFFFFF  }
0xc1: {  	_ =	task.clear_ibuf [dreg:s7], $0x2FFFF;
	_ =	strace $0x9FFFFFFF  }
0xc2: {  	(tm) =	ssettm $0x7FFFFFFF  }
0xc3: {  	_ =	shalt  }
tec
execute0_lowered:
.L_overlay_start_1:
0x0: {  	(tag) =	ssettag $0x1  }
0x1: {  	s0 =	rddreg [dreg:$0x0]  }
0x2: {  	s1 =	rddreg [dreg:$0x1];
	s3 =	simm.s32 $0x0;
	s2 =	srdreg.scid  }
0x3: {  	s4 =	stileid.u32;
	s19 =	simm.s32 $0x2080;
	s20 =	simm.s32 $0x2180  }
0x4: {  	s21 =	simm.s32 $0x1;
	s28 =	simm.s32 $0x3A00;
	s29 =	simm.s32 $0x3  }
0x5: {  	s30 =	simm.s32 $0x4;
	s31 =	simm.s32 $0x1000;
	[smem:$0x7FF] =	sst s3  }
0x6: {  	s2 =	sand.u32 $0x1, s2;
	s5 =	sshll.u32 s4, $0x1;
	s4 =	sadd.s32 $0x33E00, s0  }
0x7: {  	s6 =	sadd.s32 $0x1AA00, s0;
	s8 =	ssub.s32 $0x2, s2;
	s2 =	sor.u32 s2, s5  }
0x8: {  	s7 =	sadd.s32 $0x1600, s0;
	_ =	strace $0x80000047;
	s10 =	smul.u32 $0xCA0, s2  }
0x9: {  	s5 =	sadd.s32 $0x1400, s0;
	s0 =	simm.s32 $0x5;
	s9 =	sshrl.u32 s8, $0x1  }
0xa: {  	s22 =	ssub.s32 s8, s9;
	s8 =	smul.u32 $0xCA, s2;
	s23 =	sadd.s32 s6, s10  }
0xb: {  	s24 =	sor.u32 $0x10, s10;
	s25 =	sadd.s32 s7, s10;
	s16 =	smax.u32 s22, $0x1  }
.Ltmp0:
0xc: {  	s22 =	simm.s32 $0x80;
	[dreg:$0x3] =	wrdreg s23;
	(pc) =	sbr.rel .LBB2_1-.Ltmp0, $4  }
0xd: {  	[dreg:$0x4] =	wrdreg s25;
	s26 =	sadd.s32 s6, s24;
	s2 =	sadd.s32 s7, s24  }
0xe: {  	s13 =	sadd.s32 $0x2, s8;
	s14 =	sor.u32 $0x1, s8;
	s15 =	sadd.s32 $0x3, s8  }
0xf: {  	s25 =	simm.s32 $0x2;
	s23 =	simm.s32 $0x0;
	[dreg:$0x5] =	wrdreg s26  }
0x10: {  	[dreg:$0x6] =	wrdreg s2;
	s26 =	simm.s32 $0x2A00;
	s2 =	simm.s32 $0x6  }
.LBB2_8:
0x11: {  	s23 =	sadd.s32 $0x1, s23  }
0x12: {  	_ =	swait.ge [sflag:s0], $0x1000;
	p0 =	sne.s32 s23, s16  }
.Ltmp1:
0x13: {  	[sflag:s0] =	ssyncset.done $0x0;
	(pc) =	sbr.rel @!p0 .LBB2_9-.Ltmp1, $4  }
0x14: {  	[sflag:s0] =	ssyncadd.s32 $0xFFFFF000  }
0x15: {  	_ =	swait.ge [sflag:s2], $0x1000  }
0x16: {  	[sflag:s2] =	ssyncset.done $0x0  }
0x17: {  	[sflag:s2] =	ssyncadd.s32 $0xFFFFF000  }
.LBB2_1:
0x18: {  	s9 =	rddreg [dreg:$0x3];
	s10 =	simm.s32 $0x2000  }
0x19: {  	[tilespmem:s10], [sflag:$0x1] =	stream.linear.gather [hbm4b:s9+s3], $0x80, $0x38;
	[tilespmem:$0x4200] =	vst v63  }
0x1a: {  	s24 =	rddreg [dreg:$0x4];
	s11 =	simm.s32 $0x2100  }
0x1b: {  	[tilespmem:s11], [sflag:$0x1] =	stream.linear.gather [hbm4b:s24+s3], $0x80, $0x38;
	[tilespmem:$0x4200] =	vst v63  }
0x1c: {  	s12 =	rddreg [dreg:$0x5]  }
0x1d: {  	[tilespmem:s19], [sflag:$0x2] =	stream.linear.gather [hbm4b:s12+s3], $0x80, $0x38;
	[tilespmem:$0x4200] =	vst v63  }
0x1e: {  	s17 =	rddreg [dreg:$0x6]  }
0x1f: {  	[tilespmem:s20], [sflag:$0x2] =	stream.linear.gather [hbm4b:s17+s3], $0x80, $0x38;
	[tilespmem:$0x4200] =	vst v63  }
0x20: {  	_ =	swait.ge [sflag:s21], $0x80  }
0x21: {  	[sflag:s21] =	ssyncset.done $0x0  }
0x22: {  	[sflag:s21] =	ssyncadd.s32 $0xFFFFFF80  }
0x23: {  	_ =	swait.ge [sflag:s21], $0x80  }
0x24: {  	[sflag:s21] =	ssyncset.done $0x0  }
0x25: {  	s18 =	simm.s32 $0x2200;
	[sflag:s21] =	ssyncadd.s32 $0xFFFFFF80  }
0x26: {  	[tilespmem:s18], [sflag:$0x3] =	stream.indirect.gather [hbm4b:s4+s22], $0x10, s10, s22, $0xb8;
	[tilespmem:$0x4200] =	vst v63  }
0x27: {  	s24 =	simm.s32 $0x3200  }
0x28: {  	[tilespmem:s24], [sflag:$0x3] =	stream.indirect.gather [hbm4b:s5+s22], $0x10, s11, s22, $0xb8;
	[tilespmem:$0x4200] =	vst v63  }
0x29: {  	s24 =	simm.s32 $0x0  }
.LBB2_2:
0x2a: {  	_ =	swait.ge [sflag:s25], $0x80  }
0x2b: {  	[sflag:s25] =	ssyncset.done $0x0  }
0x2c: {  	[sflag:s25] =	ssyncadd.s32 $0xFFFFFF80  }
0x2d: {  	_ =	swait.ge [sflag:s25], $0x80  }
0x2e: {  	[sflag:s25] =	ssyncset.done $0x0  }
0x2f: {  	[sflag:s25] =	ssyncadd.s32 $0xFFFFFF80  }
0x30: {  	[tilespmem:s26], [sflag:$0x4] =	stream.indirect.gather [hbm4b:s4+s22], $0x10, s19, s22, $0xb8;
	[tilespmem:$0x4200] =	vst v63  }
0x31: {  	_ = 	snop  }
0x32: {  	[tilespmem:s28], [sflag:$0x4] =	stream.indirect.gather [hbm4b:s5+s22], $0x10, s20, s22, $0xb8;
	[tilespmem:$0x4200] =	vst v63  }
0x33: {  	_ =	swait.ge [sflag:s29], $0x800  }
0x34: {  	[sflag:s29] =	ssyncset.done $0x0  }
0x35: {  	[sflag:s29] =	ssyncadd.s32 $0xFFFFF800  }
0x36: {  	_ =	swait.ge [sflag:s29], $0x800  }
0x37: {  	p0 =	seq.s32 s24, $0x0;
	[sflag:s29] =	ssyncset.done $0x0  }
0x38: {  	s9 =	simm.s32 @!p0 $0x5;
	[sflag:s29] =	ssyncadd.s32 $0xFFFFF800  }
0x39: {  	_ =	swait.ge @!p0 [sflag:s9], $0x1000  }
0x3a: {  	[sflag:s9] =	ssyncset.done @!p0 $0x0  }
0x3b: {  	s18 =	simm.s32 $0x2220;
	[sflag:s9] =	ssyncadd.s32 @!p0 $0xFFFFF000  }
0x3c: {  	s10 =	simm.s32 $0x3220;
	v0 =	vld [tilespmem:s18+$0x10]  }
0x3d: {  	v1 =	vld [tilespmem:s10+$0x10]  }
0x3e: {  	v2 =	vld [tilespmem:s10+$0xFFFFFFE0]  }
0x3f: {  	v3 =	vld [tilespmem:s18+$0xFFFFFFF0]  }
0x40: {  	v4 =	vld [tilespmem:s10+$0xFFFFFFF0]  }
0x41: {  	v5 =	vld [tilespmem:s18+$0x0]  }
0x42: {  	v9 =	vld [tilespmem:s18+$0xFFFFFFE0]  }
0x43: {  	v7 =	vld [tilespmem:s10+$0x0];
	v6 =	vunpack.i.l.bf16.f32 v0;
	v0 =	vunpack.i.u.bf16.f32 v0;
	v8 =	vunpack.i.u.bf16.f32 v1  }
0x44: {  	s12 =	simm.s32 $0x2260;
	v1 =	vunpack.i.l.bf16.f32 v1;
	v10 =	vunpack.i.u.bf16.f32 v2;
	v11 =	vunpack.i.l.bf16.f32 v2  }
0x45: {  	s17 =	simm.s32 $0x3260;
	v12 =	vld [tilespmem:s12+$0x10];
	v2 =	vunpack.i.l.bf16.f32 v3;
	v13 =	vunpack.i.u.bf16.f32 v4;
	v0 =	vadd.f32 v8, v0  }
0x46: {  	s10 =	simm.s32 $0x40;
	v4 =	vunpack.i.l.bf16.f32 v4;
	v8 =	vunpack.i.u.bf16.f32 v3;
	v3 =	vld [tilespmem:s17+$0x10];
	v1 =	vadd.f32 v1, v6  }
0x47: {  	v14 =	vunpack.i.l.bf16.f32 v5;
	v15 =	vunpack.i.l.bf16.f32 v9;
	v6 =	vld [tilespmem:s17+$0xFFFFFFE0];
	v13 =	vadd.f32 v13, v8;
	[tilespmem:s10+$0x30] =	vst v0  }
0x48: {  	v8 =	vunpack.i.u.bf16.f32 v7;
	v7 =	vunpack.i.l.bf16.f32 v7;
	v0 =	vadd.f32 v4, v2;
	v4 =	vld [tilespmem:s12+$0xFFFFFFF0];
	[tilespmem:s10+$0x20] =	vst v1  }
0x49: {  	v2 =	vunpack.i.u.bf16.f32 v5;
	v5 =	vld [tilespmem:s17+$0xFFFFFFF0];
	v1 =	vunpack.i.u.bf16.f32 v9;
	v7 =	vadd.f32 v7, v14;
	[tilespmem:s10+$0xFFFFFFF0] =	vst v13  }
0x4a: {  	v9 =	vunpack.i.l.bf16.f32 v12;
	v14 =	vadd.f32 v11, v15;
	v12 =	vunpack.i.u.bf16.f32 v12;
	[tilespmem:s10+$0xFFFFFFE0] =	vst v0;
	v0 =	vld [tilespmem:s12+$0x0]  }
0x4b: {  	s11 =	simm.s32 $0x4;
	v11 =	vadd.f32 v10, v1;
	v1 =	vld [tilespmem:s17+$0x0];
	[tilespmem:s10+$0x0] =	vst v7;
	v13 =	vunpack.i.u.bf16.f32 v3;
	v10 =	vunpack.i.l.bf16.f32 v3  }
0x4c: {  	s9 =	sshll.u32 s24, $0x1;
	s18 =	simm.s32 $0x40;
	v7 =	vld [tilespmem:s12+$0xFFFFFFE0];
	s12 =	simm.s32 $0x22A0;
	[tilespmem:s10+$0xFFFFFFC0] =	vst v14;
	v3 =	vunpack.i.u.bf16.f32 v6;
	v6 =	vunpack.i.l.bf16.f32 v6;
	v12 =	vadd.f32 v13, v12  }
.LBB2_3:
0x4d: {  	v13 =	vld [tilespmem:s12+$0x10];
	v14 =	vunpack.i.u.bf16.f32 v4;
	v4 =	vunpack.i.l.bf16.f32 v4;
	s17 =	sadd.s32 $0x40, s17;
	[tilespmem:s10+$0xFFFFFFD0] =	vst v11;
	v8 =	vadd.f32 v8, v2;
	s18 =	sadd.s32 $0x80, s18  }
0x4e: {  	s11 =	sadd.s32 $0x4, s11;
	v15 =	vld [tilespmem:s17+$0x10];
	v11 =	vunpack.i.u.bf16.f32 v5;
	v2 =	vunpack.i.l.bf16.f32 v5;
	v5 =	vadd.f32 v10, v9;
	[tilespmem:s18+$0x30] =	vst v12  }
0x4f: {  	p1 =	slt.u32 s11, $0x7C;
	v12 =	vld [tilespmem:s17+$0xFFFFFFE0];
	v9 =	vadd.f32 v2, v4;
	v2 =	vunpack.i.u.bf16.f32 v0;
	v0 =	vunpack.i.l.bf16.f32 v0;
	[tilespmem:s10+$0x10] =	vst v8;
	s10 =	smov.u32 s18  }
.Ltmp2:
0x50: {  	v10 =	vadd.f32 v11, v14;
	v4 =	vld [tilespmem:s12+$0xFFFFFFF0];
	v8 =	vunpack.i.u.bf16.f32 v1;
	v1 =	vunpack.i.l.bf16.f32 v1;
	[tilespmem:s18+$0x20] =	vst v5;
	(pc) =	sbr.rel @p1 .LBB2_3-.Ltmp2, $4  }
0x51: {  	v5 =	vld [tilespmem:s17+$0xFFFFFFF0];
	v11 =	vunpack.i.u.bf16.f32 v7;
	v7 =	vunpack.i.l.bf16.f32 v7;
	[tilespmem:s18+$0xFFFFFFE0] =	vst v9;
	v14 =	vadd.f32 v1, v0  }
0x52: {  	v0 =	vld [tilespmem:s12+$0x0];
	v9 =	vunpack.i.l.bf16.f32 v13;
	v16 =	vadd.f32 v6, v7;
	v11 =	vadd.f32 v3, v11;
	[tilespmem:s18+$0xFFFFFFF0] =	vst v10  }
0x53: {  	v13 =	vunpack.i.u.bf16.f32 v13;
	v1 =	vld [tilespmem:s17+$0x0];
	v17 =	vunpack.i.u.bf16.f32 v15;
	v10 =	vunpack.i.l.bf16.f32 v15;
	[tilespmem:s18+$0x0] =	vst v14  }
0x54: {  	v7 =	vld [tilespmem:s12+$0xFFFFFFE0];
	v3 =	vunpack.i.u.bf16.f32 v12;
	v6 =	vunpack.i.l.bf16.f32 v12;
	v12 =	vadd.f32 v17, v13;
	s12 =	sadd.s32 $0x40, s12;
	[tilespmem:s18+$0xFFFFFFC0] =	vst v16  }
0x55: {  	[tilespmem:s10+$0xFFFFFFD0] =	vst v11;
	v2 =	vadd.f32 v8, v2;
	s11 =	sadd.s32 $0x80, s18  }
0x56: {  	v8 =	vunpack.i.l.bf16.f32 v4;
	v9 =	vadd.f32 v10, v9;
	v11 =	vunpack.i.l.bf16.f32 v5;
	[tilespmem:s11+$0x30] =	vst v12  }
0x57: {  	v4 =	vunpack.i.u.bf16.f32 v4;
	v5 =	vunpack.i.u.bf16.f32 v5;
	v8 =	vadd.f32 v11, v8;
	[tilespmem:s10+$0x10] =	vst v2  }
0x58: {  	v2 =	vunpack.i.l.bf16.f32 v0;
	v4 =	vadd.f32 v5, v4;
	[tilespmem:s11+$0x20] =	vst v9;
	v5 =	vunpack.i.l.bf16.f32 v1  }
0x59: {  	v0 =	vunpack.i.u.bf16.f32 v0;
	v1 =	vunpack.i.u.bf16.f32 v1;
	[tilespmem:s11+$0xFFFFFFE0] =	vst v8;
	v2 =	vadd.f32 v5, v2  }
0x5a: {  	v9 =	vunpack.i.l.bf16.f32 v7;
	[tilespmem:s11+$0xFFFFFFF0] =	vst v4;
	v0 =	vadd.f32 v1, v0  }
0x5b: {  	v5 =	vunpack.i.u.bf16.f32 v7;
	v6 =	vadd.f32 v6, v9;
	[tilespmem:s11+$0x0] =	vst v2  }
0x5c: {  	s18 =	sadd.s32 s8, s9;
	v3 =	vadd.f32 v3, v5;
	[tilespmem:s11+$0x10] =	vst v0  }
0x5d: {  	s10 =	sshll.u32 s18, $0x9;
	[tilespmem:s11+$0xFFFFFFC0] =	vst v6  }
0x5e: {  	p1 =	seq.s32 s24, $0x64;
	s10 =	sadd.s32 s1, s10;
	[tilespmem:s11+$0xFFFFFFD0] =	vst v3  }
0x5f: {  	[hbm4b:s10+s3] =	stream.linear.scatter [tilespmem:s3], [sflag:$0x5], $0x1000, $0x38;
	[tilespmem:$0x4200] =	vst v63  }
0x60: {  	s10 =	sadd.s32 @!p1 s9, s13  }
0x61: {  	s10 =	sshll.u32 @!p1 s10, $0x4  }
0x62: {  	s10 =	sand.u32 @!p1 $0x1FFFFFE0, s10  }
0x63: {  	s12 =	simm.s32 @!p1 $0x0;
	s17 =	simm.s32 @!p1 $0x2000;
	s11 =	sadd.s32 @!p1 s6, s10  }
0x64: {  	[tilespmem:s17], [sflag:$0x1] =	stream.linear.gather @!p1 [hbm4b:s11+s12], $0x80, $0x38;
	[tilespmem:$0x4200] =	vst v63  }
0x65: {  	s10 =	sadd.s32 @!p1 s7, s10;
	s11 =	simm.s32 @!p1 $0x2100  }
0x66: {  	[tilespmem:s11], [sflag:$0x1] =	stream.linear.gather @!p1 [hbm4b:s10+s12], $0x80, $0x38;
	[tilespmem:$0x4200] =	vst v63  }
0x67: {  	s10 =	simm.s32 @!p1 $0x1  }
0x68: {  	_ =	swait.ge @!p1 [sflag:s10], $0x80  }
0x69: {  	[sflag:s10] =	ssyncset.done @!p1 $0x0  }
0x6a: {  	[sflag:s10] =	ssyncadd.s32 @!p1 $0xFFFFFF80  }
0x6b: {  	_ =	swait.ge @!p1 [sflag:s10], $0x80  }
0x6c: {  	[sflag:s10] =	ssyncset.done @!p1 $0x0  }
0x6d: {  	s12 =	simm.s32 @!p1 $0x2200;
	[sflag:s10] =	ssyncadd.s32 @!p1 $0xFFFFFF80;
	s10 =	simm.s32 @!p1 $0x80  }
0x6e: {  	[tilespmem:s12], [sflag:$0x3] =	stream.indirect.gather @!p1 [hbm4b:s4+s10], $0x10, s17, s10, $0xb8;
	[tilespmem:$0x4200] =	vst v63  }
0x6f: {  	s12 =	simm.s32 @!p1 $0x3200  }
0x70: {  	[tilespmem:s12], [sflag:$0x3] =	stream.indirect.gather @!p1 [hbm4b:s5+s10], $0x10, s11, s10, $0xb8;
	[tilespmem:$0x4200] =	vst v63  }
0x71: {  	_ =	swait.ge [sflag:s30], $0x800  }
0x72: {  	[sflag:s30] =	ssyncset.done $0x0  }
0x73: {  	[sflag:s30] =	ssyncadd.s32 $0xFFFFF800  }
0x74: {  	_ =	swait.ge [sflag:s30], $0x800  }
0x75: {  	[sflag:s30] =	ssyncset.done $0x0  }
0x76: {  	s10 =	simm.s32 @!p0 $0x6;
	[sflag:s30] =	ssyncadd.s32 $0xFFFFF800  }
0x77: {  	_ =	swait.ge @!p0 [sflag:s10], $0x1000  }
0x78: {  	[sflag:s10] =	ssyncset.done @!p0 $0x0  }
0x79: {  	s12 =	simm.s32 $0x2A20;
	[sflag:s10] =	ssyncadd.s32 @!p0 $0xFFFFF000  }
0x7a: {  	s17 =	simm.s32 $0x3A20;
	v0 =	vld [tilespmem:s12+$0x10]  }
0x7b: {  	v1 =	vld [tilespmem:s17+$0x10]  }
0x7c: {  	v2 =	vld [tilespmem:s17+$0xFFFFFFE0]  }
0x7d: {  	v3 =	vld [tilespmem:s12+$0xFFFFFFF0]  }
0x7e: {  	v4 =	vld [tilespmem:s17+$0xFFFFFFF0]  }
0x7f: {  	v5 =	vld [tilespmem:s12+$0x0]  }
0x80: {  	v7 =	vld [tilespmem:s17+$0x0]  }
0x81: {  	v9 =	vld [tilespmem:s12+$0xFFFFFFE0];
	v6 =	vunpack.i.l.bf16.f32 v0;
	v0 =	vunpack.i.u.bf16.f32 v0;
	v8 =	vunpack.i.u.bf16.f32 v1  }
0x82: {  	s18 =	simm.s32 $0x2A60;
	v1 =	vunpack.i.l.bf16.f32 v1;
	v10 =	vunpack.i.u.bf16.f32 v2;
	v2 =	vunpack.i.l.bf16.f32 v2  }
0x83: {  	v12 =	vld [tilespmem:s18+$0x10];
	s17 =	simm.s32 $0x3A60;
	v11 =	vunpack.i.u.bf16.f32 v4;
	v4 =	vunpack.i.l.bf16.f32 v4;
	v0 =	vadd.f32 v8, v0  }
0x84: {  	s10 =	simm.s32 $0x1040;
	v13 =	vld [tilespmem:s17+$0x10];
	v14 =	vunpack.i.l.bf16.f32 v5;
	v8 =	vunpack.i.u.bf16.f32 v3;
	v1 =	vadd.f32 v1, v6  }
0x85: {  	v3 =	vunpack.i.l.bf16.f32 v3;
	v6 =	vld [tilespmem:s17+$0xFFFFFFE0];
	v15 =	vadd.f32 v11, v8;
	v8 =	vunpack.i.u.bf16.f32 v7;
	[tilespmem:s10+$0x30] =	vst v0  }
0x86: {  	v7 =	vunpack.i.l.bf16.f32 v7;
	v11 =	vunpack.i.l.bf16.f32 v9;
	v0 =	vadd.f32 v4, v3;
	v4 =	vld [tilespmem:s18+$0xFFFFFFF0];
	[tilespmem:s10+$0x20] =	vst v1  }
0x87: {  	v3 =	vunpack.i.u.bf16.f32 v5;
	v5 =	vld [tilespmem:s17+$0xFFFFFFF0];
	v1 =	vunpack.i.u.bf16.f32 v9;
	v7 =	vadd.f32 v7, v14;
	[tilespmem:s10+$0xFFFFFFF0] =	vst v15  }
0x88: {  	v9 =	vunpack.i.l.bf16.f32 v12;
	v14 =	vadd.f32 v2, v11;
	v12 =	vunpack.i.u.bf16.f32 v12;
	[tilespmem:s10+$0xFFFFFFE0] =	vst v0;
	v0 =	vld [tilespmem:s18+$0x0]  }
0x89: {  	v11 =	vadd.f32 v10, v1;
	v1 =	vld [tilespmem:s17+$0x0];
	v15 =	vunpack.i.u.bf16.f32 v13;
	v10 =	vunpack.i.l.bf16.f32 v13;
	[tilespmem:s10+$0x0] =	vst v7  }
0x8a: {  	s11 =	simm.s32 $0x4;
	s12 =	simm.s32 $0x2AA0;
	v7 =	vld [tilespmem:s18+$0xFFFFFFE0];
	v12 =	vadd.f32 v15, v12;
	[tilespmem:s10+$0xFFFFFFC0] =	vst v14;
	s18 =	simm.s32 $0x1040;
	v2 =	vunpack.i.u.bf16.f32 v6;
	v6 =	vunpack.i.l.bf16.f32 v6  }
.LBB2_5:
0x8b: {  	v13 =	vld [tilespmem:s12+$0x10];
	v14 =	vunpack.i.u.bf16.f32 v4;
	v4 =	vunpack.i.l.bf16.f32 v4;
	s17 =	sadd.s32 $0x40, s17;
	[tilespmem:s10+$0xFFFFFFD0] =	vst v11;
	v8 =	vadd.f32 v8, v3;
	s18 =	sadd.s32 $0x80, s18  }
0x8c: {  	s11 =	sadd.s32 $0x4, s11;
	v15 =	vld [tilespmem:s17+$0x10];
	v11 =	vunpack.i.u.bf16.f32 v5;
	v3 =	vunpack.i.l.bf16.f32 v5;
	v5 =	vadd.f32 v10, v9;
	[tilespmem:s18+$0x30] =	vst v12  }
0x8d: {  	p0 =	slt.u32 s11, $0x7C;
	v12 =	vld [tilespmem:s17+$0xFFFFFFE0];
	v9 =	vadd.f32 v3, v4;
	v3 =	vunpack.i.u.bf16.f32 v0;
	v0 =	vunpack.i.l.bf16.f32 v0;
	[tilespmem:s10+$0x10] =	vst v8;
	s10 =	smov.u32 s18  }
.Ltmp3:
0x8e: {  	v10 =	vadd.f32 v11, v14;
	v4 =	vld [tilespmem:s12+$0xFFFFFFF0];
	v8 =	vunpack.i.u.bf16.f32 v1;
	v1 =	vunpack.i.l.bf16.f32 v1;
	[tilespmem:s18+$0x20] =	vst v5;
	(pc) =	sbr.rel @p0 .LBB2_5-.Ltmp3, $4  }
0x8f: {  	v5 =	vld [tilespmem:s17+$0xFFFFFFF0];
	v11 =	vunpack.i.u.bf16.f32 v7;
	v7 =	vunpack.i.l.bf16.f32 v7;
	[tilespmem:s18+$0xFFFFFFE0] =	vst v9;
	v14 =	vadd.f32 v1, v0  }
0x90: {  	v0 =	vld [tilespmem:s12+$0x0];
	v9 =	vunpack.i.l.bf16.f32 v13;
	v16 =	vadd.f32 v6, v7;
	v11 =	vadd.f32 v2, v11;
	[tilespmem:s18+$0xFFFFFFF0] =	vst v10  }
0x91: {  	v13 =	vunpack.i.u.bf16.f32 v13;
	v1 =	vld [tilespmem:s17+$0x0];
	v17 =	vunpack.i.u.bf16.f32 v15;
	v10 =	vunpack.i.l.bf16.f32 v15;
	[tilespmem:s18+$0x0] =	vst v14  }
0x92: {  	v7 =	vld [tilespmem:s12+$0xFFFFFFE0];
	v2 =	vunpack.i.u.bf16.f32 v12;
	v6 =	vunpack.i.l.bf16.f32 v12;
	v12 =	vadd.f32 v17, v13;
	s12 =	sadd.s32 $0x40, s12;
	[tilespmem:s18+$0xFFFFFFC0] =	vst v16  }
0x93: {  	[tilespmem:s10+$0xFFFFFFD0] =	vst v11;
	v3 =	vadd.f32 v8, v3;
	s11 =	sadd.s32 $0x80, s18  }
0x94: {  	v54 =	vunpack.i.l.bf16.f32 v4;
	v9 =	vadd.f32 v10, v9;
	v55 =	vunpack.i.l.bf16.f32 v5;
	[tilespmem:s11+$0x30] =	vst v12  }
0x95: {  	v56 =	vunpack.i.u.bf16.f32 v4;
	v57 =	vunpack.i.u.bf16.f32 v5;
	v8 =	vadd.f32 v55, v54;
	[tilespmem:s10+$0x10] =	vst v3  }
0x96: {  	v58 =	vunpack.i.l.bf16.f32 v0;
	v4 =	vadd.f32 v57, v56;
	[tilespmem:s11+$0x20] =	vst v9;
	v59 =	vunpack.i.l.bf16.f32 v1  }
0x97: {  	v62 =	vunpack.i.u.bf16.f32 v0;
	v63 =	vunpack.i.u.bf16.f32 v1;
	[tilespmem:s11+$0xFFFFFFE0] =	vst v8;
	v3 =	vadd.f32 v59, v58  }
0x98: {  	v60 =	vunpack.i.l.bf16.f32 v7;
	[tilespmem:s11+$0xFFFFFFF0] =	vst v4;
	v0 =	vadd.f32 v63, v62  }
.Ltmp4:
0x99: {  	s18 =	sadd.s32 s9, s14;
	v61 =	vunpack.i.u.bf16.f32 v7;
	v6 =	vadd.f32 v6, v60;
	[tilespmem:s11+$0x0] =	vst v3;
	(pc) =	sbr.rel @p1 .LBB2_8-.Ltmp4, $4  }
0x9a: {  	s10 =	sshll.u32 s18, $0x9;
	v2 =	vadd.f32 v2, v61;
	[tilespmem:s11+$0x10] =	vst v0  }
0x9b: {  	s10 =	sand.u32 $0x1FFFFE00, s10;
	[tilespmem:s11+$0xFFFFFFC0] =	vst v6  }
0x9c: {  	s10 =	sadd.s32 s1, s10;
	[tilespmem:s11+$0xFFFFFFD0] =	vst v2  }
0x9d: {  	[hbm4b:s10+s3] =	stream.linear.scatter [tilespmem:s31], [sflag:$0x6], $0x1000, $0x38;
	[tilespmem:$0x4200] =	vst v63  }
0x9e: {  	s9 =	sadd.s32 s9, s15  }
0x9f: {  	s9 =	sshll.u32 s9, $0x4  }
.Ltmp5:
0xa0: {  	s9 =	sand.u32 $0x1FFFFFF0, s9;
	(pc) =	sbr.rel .LBB2_2-.Ltmp5, $4  }
0xa1: {  	s10 =	sadd.s32 s6, s9  }
0xa2: {  	[tilespmem:s19], [sflag:$0x2] =	stream.linear.gather [hbm4b:s10+s3], $0x80, $0x38;
	[tilespmem:$0x4200] =	vst v63  }
0xa3: {  	s24 =	sadd.s32 $0x1, s24;
	s9 =	sadd.s32 s7, s9  }
0xa4: {  	[tilespmem:s20], [sflag:$0x2] =	stream.linear.gather [hbm4b:s9+s3], $0x80, $0x38;
	[tilespmem:$0x4200] =	vst v63  }
.LBB2_9:
0xa5: {  	_ =	sfence.sel $0x180000  }
0xa6: {  	[bflag:$0x0] =	sbarrier.arrive $0xFFFF  }
0xa7: {  	_ =	strace $0x90000047  }
0xa8: {  	s0 =	stileid.u32;
	[bflag:$0x2] =	sbarrier.arrive $0xFFFF  }
0xa9: {  	p0 =	sne.s32 s0, $0x0;
	s0 =	rddreg [dreg:$0x2]  }
0xaa: {  	s0 =	sadd.s32 @!p0 $0x100000, s0  }
0xab: {  	[sflag:s0] =	ssyncadd.tile.s32 @!p0 $0x1;
	_ =	shalt  }
.Lfunc_end2:
_tile_overlayer_lowered:
.L_overlay_start_2:
0xac: {  	(tag) =	ssettag $0x2  }
0xad: {  	s0 =	rddreg [dreg:$0x0];
	s2 =	stileid.u32  }
0xae: {  	s1 =	rddreg [dreg:$0x1];
	p0 =	sne.s32 s2, $0x0  }
0xaf: {  	s3 =	rddreg [dreg:$0x2];
	[bflag:$0x3] =	sbarrier.arrive $0xFFFF;
	s2 =	simm.s32 @!p0 $0x1C07  }
0xb0: {  	[timem:s3], [sflag:s2] =	dma.local @!p0 [hbm:s0], s1  }
0xb1: {  	s0 =	simm.s32 @!p0 $0x7  }
0xb2: {  	_ =	swait.ge @!p0 [sflag:s0], s1  }
0xb3: {  	s1 =	ssub.s32 @!p0 $0x0, s1;
	[sflag:s0] =	ssyncset.done @!p0 $0x0  }
0xb4: {  	[sflag:s0] =	ssyncadd.s32 @!p0 s1  }
0xb5: {  	[bflag:$0x3] =	sbarrier.arrive $0xFFFF  }
0xb6: {  	_ =	shalt  }

// kernel: sparse-core-data-format-call.cloned.1.call-start
scs
called_computation_lowered:
.L_overlay_start_0:
0x0: {  	s2 =	sld [smem:$0x3FD9]  }
0x1: {  	s3 =	sld [smem:$0x3FFE];
	_ =	sdelay $0x1  }
0x2: {  	s1 =	srdreg.scid  }
0x3: {  	s0 =	sand.u32 $0x1, s1  }
0x4: {  	s18 =	sshll.u32 s0, $0xA;
	s2 =	sadd.s32 s3, s2  }
0x5: {  	s2 =	sadd.s32 s2, s18  }
0x6: {  	[smem:$0x3FC0] =	sst s2  }
0x7: {  	_ = 	snop  }
0x8: {  	s2 =	sld [smem:$0x3FD0];
	(tm) =	ssettm $0x1  }
0x9: {  	s19 =	sld [smem:$0x3FFB];
	_ =	sdelay $0x3  }
0xa: {  	_ =	strace s19  }
0xb: {  	s3 =	sld [smem:$0x3FFC];
	_ =	sdelay $0x3  }
0xc: {  	_ =	strace s3  }
0xd: {  	s3 =	sld [smem:$0x3FFD];
	_ =	sdelay $0x3  }
0xe: {  	_ =	strace s3  }
0xf: {  	_ =	strace $0x8FFFFFFF  }
0x10: {  	s20 =	sld [smem:$0x3FDB];
	_ =	sdelay $0x1  }
0x11: {  	s4 =	simm.s32 $_scs_section_size  }
0x12: {  	s5 =	simm.s32 $_size__tile_overlayer_lowered;
	s6 =	simm.s32 $_tile_overlayer_lowered  }
0x13: {  	s23 =	simm.s32 $0x1BFF;
	s22 =	sshll.u32 s6, $0x1;
	s3 =	sadd.s32 s4, s20  }
0x14: {  	s7 =	simm.s32 $0x0;
	s21 =	sshll.u32 s5, $0x1;
	s5 =	sadd.s32 s22, s3  }
0x15: {  	[timem:s7], [sflag:s23] =	dma.local [hbm:s5], s21  }
0x16: {  	_ =	swait.ge [sflag:s23], s21  }
0x17: {  	s4 =	ssub.s32 $0x0, s21;
	[sflag:s23] =	ssyncset.done $0x0  }
0x18: {  	[sflag:s23] =	ssyncadd.s32 s4;
	_ =	sdelay $0x1  }
0x19: {  	s24 =	simm.s32 $0x1B8B  }
0x1a: {  	_ =	swait.ge [sflag:s24], $0x1  }
0x1b: {  	[sflag:s24] =	ssyncset.done $0x0  }
0x1c: {  	s26 =	simm.s32 $0x1B8E;
	s25 =	sld [smem:$0x3FFE];
	[sflag:s24] =	ssyncadd.s32 $0xFFFFFFFF  }
0x1d: {  	s27 =	simm.s32 $execute0_lowered;
	[smem:$0x3FD2] =	sst s26  }
0x1e: {  	s5 =	sshll.u32 s27, $0x1;
	_ =	strace $0x80000049;
	[dreg:$0x1] =	wrdreg $0xFFFFFFFF  }
0x1f: {  	s28 =	simm.s32 $_size_execute0_lowered;
	s3 =	sadd.s32 s3, s5;
	[dreg:$0x0] =	wrdreg $0x0  }
0x20: {  	s5 =	sshll.u32 s28, $0x1;
	[dreg:$0x2] =	wrdreg s3  }
0x21: {  	[dreg:$0x3] =	wrdreg s5  }
0x22: {  	[dreg:$0x4] =	wrdreg $0xC0  }
0x23: {  	_ =	task [dreg:s7], $0x5FFFF  }
0x24: {  	[dreg:$0x1] =	wrdreg $0xFFFFFFFF  }
0x25: {  	[dreg:$0x0] =	wrdreg $0x60  }
0x26: {  	[dreg:$0x2] =	wrdreg s25  }
0x27: {  	[dreg:$0x3] =	wrdreg s2  }
0x28: {  	[dreg:$0x4] =	wrdreg $0x9  }
0x29: {  	_ =	task.clear_ibuf [dreg:s7], $0x5FFFF;
	_ =	strace $0x90000049  }
0x2a: {  	s29 =	simm.s32 $0x9;
	_ =	strace $0x8000004B  }
0x2b: {  	_ =	swait.ge [sflag:s29], $0x1  }
0x2c: {  	[sflag:s29] =	ssyncadd.s32 $0xFFFFFFFF  }
0x2d: {  	_ =	strace $0x9000004B  }
0x2e: {  	_ =	sfence  }
0x2f: {  	s30 =	sld [smem:$0x0];
	_ =	sdelay $0x2  }
0x30: {  	s31 =	sshll.u32 s1, $0xD;
	s1 =	sshrl.u32 s1, $0x2  }
0x31: {  	s3 =	sand.u32 $0x4000, s31;
	s1 =	sadd.s32 s1, s30  }
0x32: {  	s0 =	sor.u32 s3, s0;
	s1 =	sshll.u32 s1, $0x11  }
0x33: {  	s0 =	sor.u32 s1, s0  }
0x34: {  	s0 =	sadd.s32 $0x8F2B, s0  }
0x35: {  	[sflag:s0] =	ssyncadd.remote.s32 $0x1  }
0x36: {  	_ =	sfence.sel $0xFFFF  }
0x37: {  	[dreg:$0x0] =	wrdreg $0xFFFFFFFF;
	(pc) =	sbr.abs _section_cstart, $3  }
0x38: {  	[dreg:$0x1] =	wrdreg $0xFFFFFFFF  }
0x39: {  	_ =	task.clear_ibuf [dreg:s7], $0x2FFFF;
	_ =	strace $0x9FFFFFFF  }
0x3a: {  	(tm) =	ssettm $0x7FFFFFFF  }
0x3b: {  	_ =	shalt  }
tec
execute0_lowered:
.L_overlay_start_1:
0x0: {  	(tag) =	ssettag $0x1  }
0x1: {  	s0 =	srdreg.scid  }
0x2: {  	s1 =	sshll.u32 s0, $0x4  }
0x3: {  	s0 =	stileid.u32;
	s1 =	sand.u32 $0x10, s1  }
0x4: {  	s1 =	sor.u32 s0, s1  }
0x5: {  	s6 =	rddreg [dreg:$0x0];
	s4 =	simm.s32 $0x1;
	s2 =	sshll.u32 s1, $0x7  }
0x6: {  	s7 =	simm.s32 $0x2;
	s12 =	simm.s32 $0x0;
	s1 =	ssub.s32 $0x1000, s2  }
0x7: {  	s8 =	simm.s32 $0x8000;
	s13 =	simm.s32 $0x0;
	s3 =	sand.u32 $0xF80, s1  }
0x8: {  	s9 =	simm.s32 $0x0;
	s5 =	sshrl.u32 s1, $0xC;
	p0 =	sne.s32 s3, $0x0  }
.Ltmp0:
0x9: {  	s1 =	rddreg [dreg:$0x2];
	s4 =	simm.s32 @!p0 $0x0;
	(pc) =	sbr.rel .LBB1_1-.Ltmp0, $4  }
0xa: {  	s11 =	simm.s32 $0x0;
	s3 =	rddreg [dreg:$0x1];
	s5 =	sadd.s32 s4, s5  }
0xb: {  	_ =	strace $0x8000004A;
	s4 =	simm.s32 $0x1;
	s5 =	smul.u32 $0xCA, s5  }
0xc: {  	s6 =	sadd.s32 $0x1400, s6;
	s10 =	smov.u32 s2;
	[sflag:s4] =	ssyncpa.u1 $0x0  }
0xd: {  	p0 =	por $0x0, $0x0;
	[sflag:s7] =	ssyncpa.u1 $0x0;
	s7 =	sor.u32 $0x1, s5  }
.LBB1_4:
0xe: {  	s16 =	sshll.u32 s13, $0x3;
	s17 =	sand.u32 $0x78, s13  }
0xf: {  	s30 =	sand.u32 $0x3E00, s13;
	s12 =	sshll.u32 s12, $0xE;
	s16 =	sand.u32 $0xC00, s16  }
0x10: {  	s31 =	sand.u32 $0x7, s13;
	s16 =	sor.u32 s17, s16;
	s17 =	sadd.s32 s3, s30  }
0x11: {  	s13 =	sshll.u32 s31, $0x12;
	s16 =	sshrl.u32 s16, $0x3;
	s12 =	sadd.s32 s12, s17  }
0x12: {  	[tilespmem:s15+$0x0 ss:$0x81] =	vst.msk $0xffff, v0;
	s13 =	sor.u32 $0x400, s13;
	s12 =	sadd.s32 s16, s12  }
0x13: {  	[hbm4b:s12+s13] =	stream.strided.scatter [tilespmem:s14], [sflag:$0x2], $0x1000, s8, s13, $0x20;
	[tilespmem:$0x4040] =	vst v63  }
.LBB1_5:
0x14: {  	s14 =	sadd.s32 $0x1, s9  }
0x15: {  	s12 =	sadd.s32 $0x1000, s10;
	s16 =	smov.u32 s10;
	p2 =	sgt.s32 s14, $0xC9  }
0x16: {  	s16 =	smov.u32 @p2 s12  }
0x17: {  	s14 =	simm.s32 @p2 $0x0;
	p2 =	sgt.s32 s16, $0xFFF  }
0x18: {  	s16 =	smov.u32 @p2 s2;
	p2 =	sne.s32 s11, s7  }
.Ltmp1:
0x19: {  	p1 =	slt.u32 s11, $0x2;
	(pc) =	sbr.rel @!p2 .LBB1_6-.Ltmp1, $4  }
0x1a: {  	s15 =	simm.s32 @!p1 $0x2  }
0x1b: {  	s13 =	smov.u32 s10;
	p0 =	por !p0, !p0;
	_ =	swait.ge @!p1 [sflag:s15], $0x1000  }
0x1c: {  	s12 =	smov.u32 s9;
	[sflag:s15] =	ssyncset.done @!p1 $0x0;
	s9 =	smov.u32 s14  }
0x1d: {  	s11 =	sadd.s32 $0x1, s11;
	[sflag:s15] =	ssyncadd.s32 @!p1 $0xFFFFF000;
	s10 =	smov.u32 s16  }
.LBB1_1:
0x1e: {  	p1 =	sge.u32 s11, s5  }
0x1f: {  	s14 =	sand.u32 @!p1 $0x1FFFFFF, s9  }
0x20: {  	s15 =	smulhi.u32 @!p1 $0x2762763, s14;
	_ =	sdelay $0x1  }
0x21: {  	s15 =	sshrl.u32 @!p1 s15, $0x1  }
0x22: {  	s15 =	smul.u32 @!p1 $0xD0, s15  }
0x23: {  	s16 =	sxor.u32 @!p1 $0xFFFFFFFF, s11;
	s17 =	smul.u32 @!p1 $0xD00, s10  }
0x24: {  	s31 =	sadd.s32 $0xFFFFFFFF, s11;
	s16 =	sshll.u32 @!p1 s16, $0xC;
	s14 =	ssub.s32 @!p1 s14, s15  }
0x25: {  	s15 =	sand.u32 @!p1 $0x1000, s16;
	s16 =	sadd.s32 @!p1 s6, s17;
	s14 =	sshll.u32 @!p1 s14, $0x4  }
0x26: {  	s17 =	simm.s32 @!p1 $0x6800;
	s14 =	sadd.s32 @!p1 s14, s16;
	s16 =	simm.s32 @!p1 $0x20  }
0x27: {  	[tilespmem:s15], [sflag:$0x1] =	stream.strided.gather @!p1 [hbm4b:s14+s16], $0x1000, s17, s16, $0x38;
	[tilespmem:$0x4040] =	vst v63  }
0x28: {  	p1 =	sge.u32 s31, s5  }
.Ltmp2:
0x29: {  	_ = 	snop;
	(pc) =	sbr.rel @p1 .LBB1_5-.Ltmp2, $1  }
0x2a: {  	_ =	sdelay $0x3  }
0x2b: {  	s14 =	simm.s32 $0x1  }
0x2c: {  	_ =	swait.ge [sflag:s4], $0x1000;
	s14 =	simm.s32 @!p0 $0x0  }
0x2d: {  	[sflag:s4] =	ssyncset.done $0x0;
	s15 =	sshll.u32 s14, $0xC  }
0x2e: {  	[sflag:s4] =	ssyncadd.s32 $0xFFFFF000;
	s18 =	sor.u32 $0x10, s15  }
0x2f: {  	s14 =	smul.u32 $0x4080, s14;
	v1 =	vld [tilespmem:s18+$0x0]  }
0x30: {  	s30 =	sand.u32 $0x1, s11;
	v0 =	vld [tilespmem:s18+$0xFFFFFFF0]  }
0x31: {  	s15 =	smul.u32 $0x4080, s30;
	s14 =	sshrl.u32 s14, $0x2  }
0x32: {  	s16 =	sor.u32 $0x2000, s14  }
0x33: {  	s31 =	sshrl.u32 s15, $0x2;
	s15 =	sadd.s32 $0x0, s16  }
0x34: {  	s17 =	simm.s32 $0x4;
	s18 =	sadd.s32 $0x20, s18;
	s14 =	sor.u32 $0x2000, s31;
	[tilespmem:s15+$0x810 ss:$0x81] =	vst.msk $0xffff, v1  }
.LBB1_3:
0x35: {  	v1 =	vld [tilespmem:s18+$0x0];
	p1 =	sne.s32 s17, $0x1FC;
	[tilespmem:s15+$0x0 ss:$0x81] =	vst.msk $0xffff, v0;
	s15 =	smov.u32 s17;
	s17 =	sadd.s32 $0x4, s17  }
.Ltmp3:
0x36: {  	v0 =	vld [tilespmem:s18+$0xFFFFFFF0];
	(pc) =	sbr.rel @p1 .LBB1_3-.Ltmp3, $4  }
0x37: {  	_ = 	snop  }
0x38: {  	s15 =	sshra.s32 s15, $0x2  }
0x39: {  	s15 =	sadd.s32 s15, s16  }
0x3a: {  	s18 =	sadd.s32 $0x20, s18;
	[tilespmem:s15+$0x810 ss:$0x81] =	vst.msk $0xffff, v1  }
.Ltmp4:
0x3b: {  	_ = 	snop;
	(pc) =	sbr.rel .LBB1_4-.Ltmp4, $1  }
0x3c: {  	_ =	sdelay $0x3  }
.LBB1_6:
0x3d: {  	_ =	sfence.sel $0x180000  }
0x3e: {  	s2 =	simm.s32 $0x1;
	[bflag:$0x0] =	sbarrier.arrive $0xFFFF  }
0x3f: {  	s31 =	simm.s32 $0x2;
	[sflag:s2] =	ssyncpa.u1 $0x1  }
0x40: {  	[sflag:s31] =	ssyncpa.u1 $0x1  }
0x41: {  	p0 =	sne.s32 s0, $0x0;
	_ =	strace $0x9000004A  }
0x42: {  	s0 =	sadd.s32 @!p0 $0x100000, s1;
	[bflag:$0x2] =	sbarrier.arrive $0xFFFF  }
0x43: {  	[sflag:s0] =	ssyncadd.tile.s32 @!p0 $0x1;
	_ =	shalt  }
.Lfunc_end1:
_tile_overlayer_lowered:
.L_overlay_start_2:
0x44: {  	(tag) =	ssettag $0x2  }
0x45: {  	s0 =	rddreg [dreg:$0x0];
	s2 =	stileid.u32  }
0x46: {  	s1 =	rddreg [dreg:$0x1];
	p0 =	sne.s32 s2, $0x0  }
0x47: {  	s3 =	rddreg [dreg:$0x2];
	[bflag:$0x3] =	sbarrier.arrive $0xFFFF;
	s2 =	simm.s32 @!p0 $0x1C01  }
0x48: {  	[timem:s3], [sflag:s2] =	dma.local @!p0 [hbm:s0], s1  }
0x49: {  	s0 =	simm.s32 @!p0 $0x1  }
0x4a: {  	_ =	swait.ge @!p0 [sflag:s0], s1  }
0x4b: {  	s1 =	ssub.s32 @!p0 $0x0, s1;
	[sflag:s0] =	ssyncset.done @!p0 $0x0  }
0x4c: {  	[sflag:s0] =	ssyncadd.s32 @!p0 s1  }
0x4d: {  	[bflag:$0x3] =	sbarrier.arrive $0xFFFF  }
0x4e: {  	_ =	shalt  }

</sc_bundles>
